<compile_context>
chip_gen: v7x
topology: tpu7x:2x2x1
jax: 0.10.2.dev20260603
libtpu: 0.0.44.dev20260713+nightly
codegen_flags: <defaults>
</compile_context>

<pallas_src>
import functools

import jax
import jax.numpy as jnp
from jax import lax
from jax.experimental import pallas as pl
from jax.experimental.pallas import tpu as pltpu
from jax.experimental.pallas import tpu_sc as plsc

NC = 2
NS = 16
NW = NC * NS


def _gather_rows(ids, table):
    b, s = ids.shape
    v, d = table.shape
    rows_w = b // NW
    grp = 4
    n_grp = rows_w // grp
    mesh = plsc.VectorSubcoreMesh(core_axis_name="c", subcore_axis_name="s")

    @functools.partial(
        pl.kernel,
        out_type=jax.ShapeDtypeStruct((b, s, d), jnp.float32),
        mesh=mesh,
        scratch_types=[
            pltpu.VMEM((rows_w, s), jnp.int32),
            pltpu.VMEM((4, grp, s, d), jnp.float32),
            pltpu.SemaphoreType.DMA,
            [pltpu.SemaphoreType.DMA] * 4,
        ],
        compiler_params=pltpu.CompilerParams(use_tc_tiling_on_sc=False),
    )
    def body(ids_hbm, table_hbm, out_hbm, idx_v, rows_v, gsem, osems):
        wid = lax.axis_index("s") * NC + lax.axis_index("c")
        base_row = wid * rows_w
        pltpu.sync_copy(ids_hbm.at[pl.ds(base_row, rows_w)], idx_v)

        def issue_group(g, k):
            for q in range(grp):
                pltpu.async_copy(
                    table_hbm.at[idx_v.at[g * grp + q]],
                    rows_v.at[k, q],
                    gsem,
                )

        issue_group(0, 0)

        def step(p, carry):
            for k in range(4):
                g = p * 4 + k
                nk = (k + 1) % 4

                @pl.when(g + 1 < n_grp)
                def _():
                    @pl.when(g >= 3)
                    def _():
                        pltpu.make_async_copy(
                            rows_v.at[nk], out_hbm.at[pl.ds(0, grp)], osems[nk]
                        ).wait()

                    issue_group(g + 1, nk)

                for q in range(grp):
                    pltpu.make_async_copy(
                        table_hbm.at[idx_v.at[0]],
                        rows_v.at[k, q],
                        gsem,
                    ).wait()

                pltpu.async_copy(
                    rows_v.at[k],
                    out_hbm.at[pl.ds(base_row + g * grp, grp)],
                    osems[k],
                )
            return carry

        lax.fori_loop(0, n_grp // 4, step, 0)
        for k in range(4):
            pltpu.make_async_copy(
                rows_v.at[k], out_hbm.at[pl.ds(0, grp)], osems[k]
            ).wait()

    return body(ids, table)


_gather_jit = jax.jit(_gather_rows)


def kernel(ids, table):
    return _gather_jit(ids, table)

# --- scband reference (transcript-rebuilt; emitter-appended) ---
"""Pipeline reference for scband-embedding-56891136803595 (READ-ONLY COPY).

The authoritative reference and input builder live on the scoring server;
editing this copy changes nothing except your own understanding.
"""

import jax, jax.numpy as jnp
import numpy as np

VOCAB = 1000000
DIM = 64
BATCH = 4096
SEQ = 50


def setup_inputs(seed: int = 0) -> dict:
    key = jax.random.key(seed)
    k1, k2 = jax.random.split(key)
    ids = jax.random.randint(k1, (BATCH, SEQ), 0, VOCAB, dtype=jnp.int32)
    # 'uniform' keras initializer: U(-0.05, 0.05)
    table = jax.random.uniform(k2, (VOCAB, DIM), minval=-0.05, maxval=0.05, dtype=jnp.float32)
    return {"ids": ids, "table": table}


def reference(ids, table):
    # Faithful translation of Embedding.call for dense input:
    #   flatten -> unique -> lookup unique rows -> gather back by inverse idx -> reshape
    flat_ids = ids.reshape(-1)
    unique_ids, idx = jnp.unique(flat_ids, return_inverse=True, size=flat_ids.shape[0], fill_value=0)
    batch_embedding = jnp.take(table, unique_ids, axis=0)
    outputs = jnp.take(batch_embedding, idx.reshape(-1), axis=0)
    return outputs.reshape(ids.shape + (table.shape[1],))

if __name__ == "__main__":
    import jax
    _d = setup_inputs()
    print(jax.jit(kernel)(*tuple(_d.values())))

</pallas_src>

<mosaic_0001>
#map = affine_map<(d0, d1) -> (0, 0)>
#map1 = affine_map<(d0, d1) -> (0, 0, 0)>
module attributes {stable_mosaic.version = 14 : i64} {
  func.func @body(%arg0: i32, %arg1: i32, %arg2: memref<4096x50xi32, #tpu.memory_space<hbm>>, %arg3: memref<1000000x64xf32, #tpu.memory_space<hbm>>, %arg4: memref<4096x50x64xf32, #tpu.memory_space<hbm>>, %arg5: memref<128x50xi32, #tpu.memory_space<vmem>>, %arg6: memref<4x4x50x64xf32, #tpu.memory_space<vmem>>, %arg7: memref<!tpu.dma_semaphore, #tpu.memory_space<semaphore_mem>>, %arg8: memref<!tpu.dma_semaphore, #tpu.memory_space<semaphore_mem>>, %arg9: memref<!tpu.dma_semaphore, #tpu.memory_space<semaphore_mem>>, %arg10: memref<!tpu.dma_semaphore, #tpu.memory_space<semaphore_mem>>, %arg11: memref<!tpu.dma_semaphore, #tpu.memory_space<semaphore_mem>>) attributes {dimension_semantics = [#tpu.dimension_semantics<core_parallel>, #tpu.dimension_semantics<subcore_parallel>], iteration_bounds = array<i64: 2, 16>, scalar_prefetch = 0 : i64, scratch_operands = 7 : i64, tpu.core_type = #tpu.core_type<sc_vector_subcore>, window_params = [{transform_indices = #map}, {transform_indices = #map}, {transform_indices = #map1}]} {
    %mul3A = arith.constant 2 : i32
    %mul3A_0 = arith.muli %arg1, %mul3A : i32
    %add3A = arith.addi %mul3A_0, %arg0 : i32
    %mul3A_1 = arith.constant 128 : i32
    %mul3A_2 = arith.muli %add3A, %mul3A_1 : i32
    "tpu.region"() ({
      %run_scoped3A = tpu.sem_alloc : memref<!tpu.dma_semaphore, #tpu.memory_space<semaphore_mem>>
      %dma_start3A_134 = arith.constant 0 : i32
      %dma_start3A_135 = tpu.memref_slice %arg2[%mul3A_2, %dma_start3A_134] : memref<4096x50xi32, #tpu.memory_space<hbm>> -> memref<128x50xi32, #tpu.memory_space<hbm>>
      %dma_start3A_136 = arith.constant 0 : i32
      %dma_start3A_137 = tpu.memref_slice %arg2[%mul3A_2, %dma_start3A_136] : memref<4096x50xi32, #tpu.memory_space<hbm>> -> memref<128x50xi32, #tpu.memory_space<hbm>>
      tpu.enqueue_dma source(%dma_start3A_137 : memref<128x50xi32, #tpu.memory_space<hbm>>) target(%arg5 : memref<128x50xi32, #tpu.memory_space<vmem>>) target_semaphore(%run_scoped3A : memref<!tpu.dma_semaphore, #tpu.memory_space<semaphore_mem>>)
      %dma_wait3A_138 = arith.constant 0 : i32
      %dma_wait3A_139 = tpu.memref_slice %arg2[%mul3A_2, %dma_wait3A_138] : memref<4096x50xi32, #tpu.memory_space<hbm>> -> memref<128x50xi32, #tpu.memory_space<hbm>>
      %dma_wait3A_140 = arith.constant 0 : i32
      %dma_wait3A_141 = tpu.memref_slice %arg2[%mul3A_2, %dma_wait3A_140] : memref<4096x50xi32, #tpu.memory_space<hbm>> -> memref<128x50xi32, #tpu.memory_space<hbm>>
      tpu.wait_dma2 semaphore(%run_scoped3A : memref<!tpu.dma_semaphore, #tpu.memory_space<semaphore_mem>>) src(%dma_wait3A_141 : memref<128x50xi32, #tpu.memory_space<hbm>>) dst(%arg5 : memref<128x50xi32, #tpu.memory_space<vmem>>)
      tpu.yield
    }) : () -> ()
    %dma_start3A = arith.constant 0 : i32
    %dma_start3A_3 = arith.constant 0 : i32
    %dma_start3A_4 = arith.constant 0 : i32
    %dma_start3A_5 = arith.constant 0 : i32
    %dma_start3A_6 = arith.constant 0 : i32
    %dma_start3A_7 = tpu.memref_slice %arg6[%dma_start3A_3, %dma_start3A_4, %dma_start3A_5, %dma_start3A_6] : memref<4x4x50x64xf32, #tpu.memory_space<vmem>> -> memref<1x1x50x64xf32, #tpu.memory_space<vmem>>
    %dma_start3A_8 = tpu.memref_squeeze %dma_start3A_7 : memref<1x1x50x64xf32, #tpu.memory_space<vmem>> -> memref<50x64xf32, #tpu.memory_space<vmem>>
    %dma_start3A_9 = arith.constant 0 : i32
    %dma_start3A_10 = tpu.memref_slice %arg5[%dma_start3A, %dma_start3A_9] : memref<128x50xi32, #tpu.memory_space<vmem>> -> memref<1x50xi32, #tpu.memory_space<vmem>>
    %dma_start3A_11 = tpu.memref_squeeze %dma_start3A_10 : memref<1x50xi32, #tpu.memory_space<vmem>> -> memref<50xi32, #tpu.memory_space<vmem>>
    %dma_start3A_12 = arith.constant 0 : i32
    %dma_start3A_13 = arith.constant 0 : i32
    %dma_start3A_14 = tpu.memref_slice %arg3[%dma_start3A_12, %dma_start3A_13] : memref<1000000x64xf32, #tpu.memory_space<hbm>> -> memref<1000000x64xf32, #tpu.memory_space<hbm>>
    tpu.enqueue_indirect_dma source(%dma_start3A_14 : memref<1000000x64xf32, #tpu.memory_space<hbm>>) target(%dma_start3A_8 : memref<50x64xf32, #tpu.memory_space<vmem>>) offsets(%dma_start3A_11 : memref<50xi32, #tpu.memory_space<vmem>>) semaphore(%arg7 : memref<!tpu.dma_semaphore, #tpu.memory_space<semaphore_mem>>)
    %dma_start3A_15 = arith.constant 1 : i32
    %dma_start3A_16 = arith.constant 0 : i32
    %dma_start3A_17 = arith.constant 1 : i32
    %dma_start3A_18 = arith.constant 0 : i32
    %dma_start3A_19 = arith.constant 0 : i32
    %dma_start3A_20 = tpu.memref_slice %arg6[%dma_start3A_16, %dma_start3A_17, %dma_start3A_18, %dma_start3A_19] : memref<4x4x50x64xf32, #tpu.memory_space<vmem>> -> memref<1x1x50x64xf32, #tpu.memory_space<vmem>>
    %dma_start3A_21 = tpu.memref_squeeze %dma_start3A_20 : memref<1x1x50x64xf32, #tpu.memory_space<vmem>> -> memref<50x64xf32, #tpu.memory_space<vmem>>
    %dma_start3A_22 = arith.constant 0 : i32
    %dma_start3A_23 = tpu.memref_slice %arg5[%dma_start3A_15, %dma_start3A_22] : memref<128x50xi32, #tpu.memory_space<vmem>> -> memref<1x50xi32, #tpu.memory_space<vmem>>
    %dma_start3A_24 = tpu.memref_squeeze %dma_start3A_23 : memref<1x50xi32, #tpu.memory_space<vmem>> -> memref<50xi32, #tpu.memory_space<vmem>>
    %dma_start3A_25 = arith.constant 0 : i32
    %dma_start3A_26 = arith.constant 0 : i32
    %dma_start3A_27 = tpu.memref_slice %arg3[%dma_start3A_25, %dma_start3A_26] : memref<1000000x64xf32, #tpu.memory_space<hbm>> -> memref<1000000x64xf32, #tpu.memory_space<hbm>>
    tpu.enqueue_indirect_dma source(%dma_start3A_27 : memref<1000000x64xf32, #tpu.memory_space<hbm>>) target(%dma_start3A_21 : memref<50x64xf32, #tpu.memory_space<vmem>>) offsets(%dma_start3A_24 : memref<50xi32, #tpu.memory_space<vmem>>) semaphore(%arg7 : memref<!tpu.dma_semaphore, #tpu.memory_space<semaphore_mem>>)
    %dma_start3A_28 = arith.constant 2 : i32
    %dma_start3A_29 = arith.constant 0 : i32
    %dma_start3A_30 = arith.constant 2 : i32
    %dma_start3A_31 = arith.constant 0 : i32
    %dma_start3A_32 = arith.constant 0 : i32
    %dma_start3A_33 = tpu.memref_slice %arg6[%dma_start3A_29, %dma_start3A_30, %dma_start3A_31, %dma_start3A_32] : memref<4x4x50x64xf32, #tpu.memory_space<vmem>> -> memref<1x1x50x64xf32, #tpu.memory_space<vmem>>
    %dma_start3A_34 = tpu.memref_squeeze %dma_start3A_33 : memref<1x1x50x64xf32, #tpu.memory_space<vmem>> -> memref<50x64xf32, #tpu.memory_space<vmem>>
    %dma_start3A_35 = arith.constant 0 : i32
    %dma_start3A_36 = tpu.memref_slice %arg5[%dma_start3A_28, %dma_start3A_35] : memref<128x50xi32, #tpu.memory_space<vmem>> -> memref<1x50xi32, #tpu.memory_space<vmem>>
    %dma_start3A_37 = tpu.memref_squeeze %dma_start3A_36 : memref<1x50xi32, #tpu.memory_space<vmem>> -> memref<50xi32, #tpu.memory_space<vmem>>
    %dma_start3A_38 = arith.constant 0 : i32
    %dma_start3A_39 = arith.constant 0 : i32
    %dma_start3A_40 = tpu.memref_slice %arg3[%dma_start3A_38, %dma_start3A_39] : memref<1000000x64xf32, #tpu.memory_space<hbm>> -> memref<1000000x64xf32, #tpu.memory_space<hbm>>
    tpu.enqueue_indirect_dma source(%dma_start3A_40 : memref<1000000x64xf32, #tpu.memory_space<hbm>>) target(%dma_start3A_34 : memref<50x64xf32, #tpu.memory_space<vmem>>) offsets(%dma_start3A_37 : memref<50xi32, #tpu.memory_space<vmem>>) semaphore(%arg7 : memref<!tpu.dma_semaphore, #tpu.memory_space<semaphore_mem>>)
    %dma_start3A_41 = arith.constant 3 : i32
    %dma_start3A_42 = arith.constant 0 : i32
    %dma_start3A_43 = arith.constant 3 : i32
    %dma_start3A_44 = arith.constant 0 : i32
    %dma_start3A_45 = arith.constant 0 : i32
    %dma_start3A_46 = tpu.memref_slice %arg6[%dma_start3A_42, %dma_start3A_43, %dma_start3A_44, %dma_start3A_45] : memref<4x4x50x64xf32, #tpu.memory_space<vmem>> -> memref<1x1x50x64xf32, #tpu.memory_space<vmem>>
    %dma_start3A_47 = tpu.memref_squeeze %dma_start3A_46 : memref<1x1x50x64xf32, #tpu.memory_space<vmem>> -> memref<50x64xf32, #tpu.memory_space<vmem>>
    %dma_start3A_48 = arith.constant 0 : i32
    %dma_start3A_49 = tpu.memref_slice %arg5[%dma_start3A_41, %dma_start3A_48] : memref<128x50xi32, #tpu.memory_space<vmem>> -> memref<1x50xi32, #tpu.memory_space<vmem>>
    %dma_start3A_50 = tpu.memref_squeeze %dma_start3A_49 : memref<1x50xi32, #tpu.memory_space<vmem>> -> memref<50xi32, #tpu.memory_space<vmem>>
    %dma_start3A_51 = arith.constant 0 : i32
    %dma_start3A_52 = arith.constant 0 : i32
    %dma_start3A_53 = tpu.memref_slice %arg3[%dma_start3A_51, %dma_start3A_52] : memref<1000000x64xf32, #tpu.memory_space<hbm>> -> memref<1000000x64xf32, #tpu.memory_space<hbm>>
    tpu.enqueue_indirect_dma source(%dma_start3A_53 : memref<1000000x64xf32, #tpu.memory_space<hbm>>) target(%dma_start3A_47 : memref<50x64xf32, #tpu.memory_space<vmem>>) offsets(%dma_start3A_50 : memref<50xi32, #tpu.memory_space<vmem>>) semaphore(%arg7 : memref<!tpu.dma_semaphore, #tpu.memory_space<semaphore_mem>>)
    %scan3A = arith.constant 0 : i32
    %scan3A_54 = arith.constant 0 : i32
    %scan3A_55 = arith.constant 8 : i32
    %scan3A_56 = arith.addi %scan3A_54, %scan3A_55 : i32
    %scan3A_57 = arith.constant 1 : i32
    scf.for %scan3A_134 = %scan3A_54 to %scan3A_56 step %scan3A_57  : i32 {
      %mul3A_135 = arith.constant 4 : i32
      %mul3A_136 = arith.muli %scan3A_134, %mul3A_135 : i32
      %add3A_137 = arith.constant 0 : i32
      %add3A_138 = arith.addi %mul3A_136, %add3A_137 : i32
      %add3A_139 = arith.constant 1 : i32
      %add3A_140 = arith.addi %add3A_138, %add3A_139 : i32
      %lt3A = arith.constant 32 : i32
      %lt3A_141 = arith.cmpi slt, %add3A_140, %lt3A : i32
      %convert_element_type3A = arith.extui %lt3A_141 : i1 to i32
      %cond3A = arith.constant 0 : i32
      %cond3A_142 = arith.cmpi ne, %convert_element_type3A, %cond3A : i32
      scf.if %cond3A_142 {
        %ge3A = arith.constant 3 : i32
        %ge3A_464 = arith.cmpi sge, %add3A_138, %ge3A : i32
        %convert_element_type3A_465 = arith.extui %ge3A_464 : i1 to i32
        %cond3A_466 = arith.constant 0 : i32
        %cond3A_467 = arith.cmpi ne, %convert_element_type3A_465, %cond3A_466 : i32
        scf.if %cond3A_467 {
          %dma_wait3A_534 = arith.constant 1 : i32
          %dma_wait3A_535 = arith.constant 0 : i32
          %dma_wait3A_536 = arith.constant 0 : i32
          %dma_wait3A_537 = arith.constant 0 : i32
          %dma_wait3A_538 = tpu.memref_slice %arg6[%dma_wait3A_534, %dma_wait3A_535, %dma_wait3A_536, %dma_wait3A_537] : memref<4x4x50x64xf32, #tpu.memory_space<vmem>> -> memref<1x4x50x64xf32, #tpu.memory_space<vmem>>
          %dma_wait3A_539 = tpu.memref_squeeze %dma_wait3A_538 : memref<1x4x50x64xf32, #tpu.memory_space<vmem>> -> memref<4x50x64xf32, #tpu.memory_space<vmem>>
          %dma_wait3A_540 = arith.constant 0 : i32
          %dma_wait3A_541 = arith.constant 0 : i32
          %dma_wait3A_542 = arith.constant 0 : i32
          %dma_wait3A_543 = tpu.memref_slice %arg4[%dma_wait3A_540, %dma_wait3A_541, %dma_wait3A_542] : memref<4096x50x64xf32, #tpu.memory_space<hbm>> -> memref<4x50x64xf32, #tpu.memory_space<hbm>>
          %dma_wait3A_544 = arith.constant 0 : i32
          %dma_wait3A_545 = arith.constant 0 : i32
          %dma_wait3A_546 = arith.constant 0 : i32
          %dma_wait3A_547 = tpu.memref_slice %arg4[%dma_wait3A_544, %dma_wait3A_545, %dma_wait3A_546] : memref<4096x50x64xf32, #tpu.memory_space<hbm>> -> memref<4x50x64xf32, #tpu.memory_space<hbm>>
          %dma_wait3A_548 = arith.constant 0 : i32
          %dma_wait3A_549 = arith.constant 0 : i32
          %dma_wait3A_550 = arith.constant 0 : i32
          %dma_wait3A_551 = tpu.memref_slice %arg6[%dma_wait3A_534, %dma_wait3A_548, %dma_wait3A_549, %dma_wait3A_550] : memref<4x4x50x64xf32, #tpu.memory_space<vmem>> -> memref<1x4x50x64xf32, #tpu.memory_space<vmem>>
          %dma_wait3A_552 = tpu.memref_squeeze %dma_wait3A_551 : memref<1x4x50x64xf32, #tpu.memory_space<vmem>> -> memref<4x50x64xf32, #tpu.memory_space<vmem>>
          tpu.wait_dma2 semaphore(%arg9 : memref<!tpu.dma_semaphore, #tpu.memory_space<semaphore_mem>>) src(%dma_wait3A_552 : memref<4x50x64xf32, #tpu.memory_space<vmem>>) dst(%dma_wait3A_547 : memref<4x50x64xf32, #tpu.memory_space<hbm>>)
        } else {
        }
        %add3A_468 = arith.constant 1 : i32
        %add3A_469 = arith.addi %add3A_138, %add3A_468 : i32
        %mul3A_470 = arith.constant 4 : i32
        %mul3A_471 = arith.muli %add3A_469, %mul3A_470 : i32
        %add3A_472 = arith.constant 0 : i32
        %add3A_473 = arith.addi %mul3A_471, %add3A_472 : i32
        %dma_start3A_474 = arith.constant 1 : i32
        %dma_start3A_475 = arith.constant 0 : i32
        %dma_start3A_476 = arith.constant 0 : i32
        %dma_start3A_477 = arith.constant 0 : i32
        %dma_start3A_478 = tpu.memref_slice %arg6[%dma_start3A_474, %dma_start3A_475, %dma_start3A_476, %dma_start3A_477] : memref<4x4x50x64xf32, #tpu.memory_space<vmem>> -> memref<1x1x50x64xf32, #tpu.memory_space<vmem>>
        %dma_start3A_479 = tpu.memref_squeeze %dma_start3A_478 : memref<1x1x50x64xf32, #tpu.memory_space<vmem>> -> memref<50x64xf32, #tpu.memory_space<vmem>>
        %dma_start3A_480 = arith.constant 0 : i32
        %dma_start3A_481 = tpu.memref_slice %arg5[%add3A_473, %dma_start3A_480] : memref<128x50xi32, #tpu.memory_space<vmem>> -> memref<1x50xi32, #tpu.memory_space<vmem>>
        %dma_start3A_482 = tpu.memref_squeeze %dma_start3A_481 : memref<1x50xi32, #tpu.memory_space<vmem>> -> memref<50xi32, #tpu.memory_space<vmem>>
        %dma_start3A_483 = arith.constant 0 : i32
        %dma_start3A_484 = arith.constant 0 : i32
        %dma_start3A_485 = tpu.memref_slice %arg3[%dma_start3A_483, %dma_start3A_484] : memref<1000000x64xf32, #tpu.memory_space<hbm>> -> memref<1000000x64xf32, #tpu.memory_space<hbm>>
        tpu.enqueue_indirect_dma source(%dma_start3A_485 : memref<1000000x64xf32, #tpu.memory_space<hbm>>) target(%dma_start3A_479 : memref<50x64xf32, #tpu.memory_space<vmem>>) offsets(%dma_start3A_482 : memref<50xi32, #tpu.memory_space<vmem>>) semaphore(%arg7 : memref<!tpu.dma_semaphore, #tpu.memory_space<semaphore_mem>>)
        %mul3A_486 = arith.constant 4 : i32
        %mul3A_487 = arith.muli %add3A_469, %mul3A_486 : i32
        %add3A_488 = arith.constant 1 : i32
        %add3A_489 = arith.addi %mul3A_487, %add3A_488 : i32
        %dma_start3A_490 = arith.constant 1 : i32
        %dma_start3A_491 = arith.constant 1 : i32
        %dma_start3A_492 = arith.constant 0 : i32
        %dma_start3A_493 = arith.constant 0 : i32
        %dma_start3A_494 = tpu.memref_slice %arg6[%dma_start3A_490, %dma_start3A_491, %dma_start3A_492, %dma_start3A_493] : memref<4x4x50x64xf32, #tpu.memory_space<vmem>> -> memref<1x1x50x64xf32, #tpu.memory_space<vmem>>
        %dma_start3A_495 = tpu.memref_squeeze %dma_start3A_494 : memref<1x1x50x64xf32, #tpu.memory_space<vmem>> -> memref<50x64xf32, #tpu.memory_space<vmem>>
        %dma_start3A_496 = arith.constant 0 : i32
        %dma_start3A_497 = tpu.memref_slice %arg5[%add3A_489, %dma_start3A_496] : memref<128x50xi32, #tpu.memory_space<vmem>> -> memref<1x50xi32, #tpu.memory_space<vmem>>
        %dma_start3A_498 = tpu.memref_squeeze %dma_start3A_497 : memref<1x50xi32, #tpu.memory_space<vmem>> -> memref<50xi32, #tpu.memory_space<vmem>>
        %dma_start3A_499 = arith.constant 0 : i32
        %dma_start3A_500 = arith.constant 0 : i32
        %dma_start3A_501 = tpu.memref_slice %arg3[%dma_start3A_499, %dma_start3A_500] : memref<1000000x64xf32, #tpu.memory_space<hbm>> -> memref<1000000x64xf32, #tpu.memory_space<hbm>>
        tpu.enqueue_indirect_dma source(%dma_start3A_501 : memref<1000000x64xf32, #tpu.memory_space<hbm>>) target(%dma_start3A_495 : memref<50x64xf32, #tpu.memory_space<vmem>>) offsets(%dma_start3A_498 : memref<50xi32, #tpu.memory_space<vmem>>) semaphore(%arg7 : memref<!tpu.dma_semaphore, #tpu.memory_space<semaphore_mem>>)
        %mul3A_502 = arith.constant 4 : i32
        %mul3A_503 = arith.muli %add3A_469, %mul3A_502 : i32
        %add3A_504 = arith.constant 2 : i32
        %add3A_505 = arith.addi %mul3A_503, %add3A_504 : i32
        %dma_start3A_506 = arith.constant 1 : i32
        %dma_start3A_507 = arith.constant 2 : i32
        %dma_start3A_508 = arith.constant 0 : i32
        %dma_start3A_509 = arith.constant 0 : i32
        %dma_start3A_510 = tpu.memref_slice %arg6[%dma_start3A_506, %dma_start3A_507, %dma_start3A_508, %dma_start3A_509] : memref<4x4x50x64xf32, #tpu.memory_space<vmem>> -> memref<1x1x50x64xf32, #tpu.memory_space<vmem>>
        %dma_start3A_511 = tpu.memref_squeeze %dma_start3A_510 : memref<1x1x50x64xf32, #tpu.memory_space<vmem>> -> memref<50x64xf32, #tpu.memory_space<vmem>>
        %dma_start3A_512 = arith.constant 0 : i32
        %dma_start3A_513 = tpu.memref_slice %arg5[%add3A_505, %dma_start3A_512] : memref<128x50xi32, #tpu.memory_space<vmem>> -> memref<1x50xi32, #tpu.memory_space<vmem>>
        %dma_start3A_514 = tpu.memref_squeeze %dma_start3A_513 : memref<1x50xi32, #tpu.memory_space<vmem>> -> memref<50xi32, #tpu.memory_space<vmem>>
        %dma_start3A_515 = arith.constant 0 : i32
        %dma_start3A_516 = arith.constant 0 : i32
        %dma_start3A_517 = tpu.memref_slice %arg3[%dma_start3A_515, %dma_start3A_516] : memref<1000000x64xf32, #tpu.memory_space<hbm>> -> memref<1000000x64xf32, #tpu.memory_space<hbm>>
        tpu.enqueue_indirect_dma source(%dma_start3A_517 : memref<1000000x64xf32, #tpu.memory_space<hbm>>) target(%dma_start3A_511 : memref<50x64xf32, #tpu.memory_space<vmem>>) offsets(%dma_start3A_514 : memref<50xi32, #tpu.memory_space<vmem>>) semaphore(%arg7 : memref<!tpu.dma_semaphore, #tpu.memory_space<semaphore_mem>>)
        %mul3A_518 = arith.constant 4 : i32
        %mul3A_519 = arith.muli %add3A_469, %mul3A_518 : i32
        %add3A_520 = arith.constant 3 : i32
        %add3A_521 = arith.addi %mul3A_519, %add3A_520 : i32
        %dma_start3A_522 = arith.constant 1 : i32
        %dma_start3A_523 = arith.constant 3 : i32
        %dma_start3A_524 = arith.constant 0 : i32
        %dma_start3A_525 = arith.constant 0 : i32
        %dma_start3A_526 = tpu.memref_slice %arg6[%dma_start3A_522, %dma_start3A_523, %dma_start3A_524, %dma_start3A_525] : memref<4x4x50x64xf32, #tpu.memory_space<vmem>> -> memref<1x1x50x64xf32, #tpu.memory_space<vmem>>
        %dma_start3A_527 = tpu.memref_squeeze %dma_start3A_526 : memref<1x1x50x64xf32, #tpu.memory_space<vmem>> -> memref<50x64xf32, #tpu.memory_space<vmem>>
        %dma_start3A_528 = arith.constant 0 : i32
        %dma_start3A_529 = tpu.memref_slice %arg5[%add3A_521, %dma_start3A_528] : memref<128x50xi32, #tpu.memory_space<vmem>> -> memref<1x50xi32, #tpu.memory_space<vmem>>
        %dma_start3A_530 = tpu.memref_squeeze %dma_start3A_529 : memref<1x50xi32, #tpu.memory_space<vmem>> -> memref<50xi32, #tpu.memory_space<vmem>>
        %dma_start3A_531 = arith.constant 0 : i32
        %dma_start3A_532 = arith.constant 0 : i32
        %dma_start3A_533 = tpu.memref_slice %arg3[%dma_start3A_531, %dma_start3A_532] : memref<1000000x64xf32, #tpu.memory_space<hbm>> -> memref<1000000x64xf32, #tpu.memory_space<hbm>>
        tpu.enqueue_indirect_dma source(%dma_start3A_533 : memref<1000000x64xf32, #tpu.memory_space<hbm>>) target(%dma_start3A_527 : memref<50x64xf32, #tpu.memory_space<vmem>>) offsets(%dma_start3A_530 : memref<50xi32, #tpu.memory_space<vmem>>) semaphore(%arg7 : memref<!tpu.dma_semaphore, #tpu.memory_space<semaphore_mem>>)
      } else {
      }
      %dma_wait3A_143 = arith.constant 0 : i32
      %dma_wait3A_144 = arith.constant 0 : i32
      %dma_wait3A_145 = arith.constant 0 : i32
      %dma_wait3A_146 = arith.constant 0 : i32
      %dma_wait3A_147 = arith.constant 0 : i32
      %dma_wait3A_148 = tpu.memref_slice %arg6[%dma_wait3A_144, %dma_wait3A_145, %dma_wait3A_146, %dma_wait3A_147] : memref<4x4x50x64xf32, #tpu.memory_space<vmem>> -> memref<1x1x50x64xf32, #tpu.memory_space<vmem>>
      %dma_wait3A_149 = tpu.memref_squeeze %dma_wait3A_148 : memref<1x1x50x64xf32, #tpu.memory_space<vmem>> -> memref<50x64xf32, #tpu.memory_space<vmem>>
      %dma_wait3A_150 = arith.constant 0 : i32
      %dma_wait3A_151 = tpu.memref_slice %arg5[%dma_wait3A_143, %dma_wait3A_150] : memref<128x50xi32, #tpu.memory_space<vmem>> -> memref<1x50xi32, #tpu.memory_space<vmem>>
      %dma_wait3A_152 = tpu.memref_squeeze %dma_wait3A_151 : memref<1x50xi32, #tpu.memory_space<vmem>> -> memref<50xi32, #tpu.memory_space<vmem>>
      %dma_wait3A_153 = arith.constant 0 : i32
      %dma_wait3A_154 = arith.constant 0 : i32
      %dma_wait3A_155 = tpu.memref_slice %arg3[%dma_wait3A_153, %dma_wait3A_154] : memref<1000000x64xf32, #tpu.memory_space<hbm>> -> memref<1000000x64xf32, #tpu.memory_space<hbm>>
      tpu.wait_indirect_dma semaphore(%arg7 : memref<!tpu.dma_semaphore, #tpu.memory_space<semaphore_mem>>) src(%dma_wait3A_155 : memref<1000000x64xf32, #tpu.memory_space<hbm>>) dst(%dma_wait3A_149 : memref<50x64xf32, #tpu.memory_space<vmem>>)
      %dma_wait3A_156 = arith.constant 0 : i32
      %dma_wait3A_157 = arith.constant 0 : i32
      %dma_wait3A_158 = arith.constant 1 : i32
      %dma_wait3A_159 = arith.constant 0 : i32
      %dma_wait3A_160 = arith.constant 0 : i32
      %dma_wait3A_161 = tpu.memref_slice %arg6[%dma_wait3A_157, %dma_wait3A_158, %dma_wait3A_159, %dma_wait3A_160] : memref<4x4x50x64xf32, #tpu.memory_space<vmem>> -> memref<1x1x50x64xf32, #tpu.memory_space<vmem>>
      %dma_wait3A_162 = tpu.memref_squeeze %dma_wait3A_161 : memref<1x1x50x64xf32, #tpu.memory_space<vmem>> -> memref<50x64xf32, #tpu.memory_space<vmem>>
      %dma_wait3A_163 = arith.constant 0 : i32
      %dma_wait3A_164 = tpu.memref_slice %arg5[%dma_wait3A_156, %dma_wait3A_163] : memref<128x50xi32, #tpu.memory_space<vmem>> -> memref<1x50xi32, #tpu.memory_space<vmem>>
      %dma_wait3A_165 = tpu.memref_squeeze %dma_wait3A_164 : memref<1x50xi32, #tpu.memory_space<vmem>> -> memref<50xi32, #tpu.memory_space<vmem>>
      %dma_wait3A_166 = arith.constant 0 : i32
      %dma_wait3A_167 = arith.constant 0 : i32
      %dma_wait3A_168 = tpu.memref_slice %arg3[%dma_wait3A_166, %dma_wait3A_167] : memref<1000000x64xf32, #tpu.memory_space<hbm>> -> memref<1000000x64xf32, #tpu.memory_space<hbm>>
      tpu.wait_indirect_dma semaphore(%arg7 : memref<!tpu.dma_semaphore, #tpu.memory_space<semaphore_mem>>) src(%dma_wait3A_168 : memref<1000000x64xf32, #tpu.memory_space<hbm>>) dst(%dma_wait3A_162 : memref<50x64xf32, #tpu.memory_space<vmem>>)
      %dma_wait3A_169 = arith.constant 0 : i32
      %dma_wait3A_170 = arith.constant 0 : i32
      %dma_wait3A_171 = arith.constant 2 : i32
      %dma_wait3A_172 = arith.constant 0 : i32
      %dma_wait3A_173 = arith.constant 0 : i32
      %dma_wait3A_174 = tpu.memref_slice %arg6[%dma_wait3A_170, %dma_wait3A_171, %dma_wait3A_172, %dma_wait3A_173] : memref<4x4x50x64xf32, #tpu.memory_space<vmem>> -> memref<1x1x50x64xf32, #tpu.memory_space<vmem>>
      %dma_wait3A_175 = tpu.memref_squeeze %dma_wait3A_174 : memref<1x1x50x64xf32, #tpu.memory_space<vmem>> -> memref<50x64xf32, #tpu.memory_space<vmem>>
      %dma_wait3A_176 = arith.constant 0 : i32
      %dma_wait3A_177 = tpu.memref_slice %arg5[%dma_wait3A_169, %dma_wait3A_176] : memref<128x50xi32, #tpu.memory_space<vmem>> -> memref<1x50xi32, #tpu.memory_space<vmem>>
      %dma_wait3A_178 = tpu.memref_squeeze %dma_wait3A_177 : memref<1x50xi32, #tpu.memory_space<vmem>> -> memref<50xi32, #tpu.memory_space<vmem>>
      %dma_wait3A_179 = arith.constant 0 : i32
      %dma_wait3A_180 = arith.constant 0 : i32
      %dma_wait3A_181 = tpu.memref_slice %arg3[%dma_wait3A_179, %dma_wait3A_180] : memref<1000000x64xf32, #tpu.memory_space<hbm>> -> memref<1000000x64xf32, #tpu.memory_space<hbm>>
      tpu.wait_indirect_dma semaphore(%arg7 : memref<!tpu.dma_semaphore, #tpu.memory_space<semaphore_mem>>) src(%dma_wait3A_181 : memref<1000000x64xf32, #tpu.memory_space<hbm>>) dst(%dma_wait3A_175 : memref<50x64xf32, #tpu.memory_space<vmem>>)
      %dma_wait3A_182 = arith.constant 0 : i32
      %dma_wait3A_183 = arith.constant 0 : i32
      %dma_wait3A_184 = arith.constant 3 : i32
      %dma_wait3A_185 = arith.constant 0 : i32
      %dma_wait3A_186 = arith.constant 0 : i32
      %dma_wait3A_187 = tpu.memref_slice %arg6[%dma_wait3A_183, %dma_wait3A_184, %dma_wait3A_185, %dma_wait3A_186] : memref<4x4x50x64xf32, #tpu.memory_space<vmem>> -> memref<1x1x50x64xf32, #tpu.memory_space<vmem>>
      %dma_wait3A_188 = tpu.memref_squeeze %dma_wait3A_187 : memref<1x1x50x64xf32, #tpu.memory_space<vmem>> -> memref<50x64xf32, #tpu.memory_space<vmem>>
      %dma_wait3A_189 = arith.constant 0 : i32
      %dma_wait3A_190 = tpu.memref_slice %arg5[%dma_wait3A_182, %dma_wait3A_189] : memref<128x50xi32, #tpu.memory_space<vmem>> -> memref<1x50xi32, #tpu.memory_space<vmem>>
      %dma_wait3A_191 = tpu.memref_squeeze %dma_wait3A_190 : memref<1x50xi32, #tpu.memory_space<vmem>> -> memref<50xi32, #tpu.memory_space<vmem>>
      %dma_wait3A_192 = arith.constant 0 : i32
      %dma_wait3A_193 = arith.constant 0 : i32
      %dma_wait3A_194 = tpu.memref_slice %arg3[%dma_wait3A_192, %dma_wait3A_193] : memref<1000000x64xf32, #tpu.memory_space<hbm>> -> memref<1000000x64xf32, #tpu.memory_space<hbm>>
      tpu.wait_indirect_dma semaphore(%arg7 : memref<!tpu.dma_semaphore, #tpu.memory_space<semaphore_mem>>) src(%dma_wait3A_194 : memref<1000000x64xf32, #tpu.memory_space<hbm>>) dst(%dma_wait3A_188 : memref<50x64xf32, #tpu.memory_space<vmem>>)
      %mul3A_195 = arith.constant 4 : i32
      %mul3A_196 = arith.muli %add3A_138, %mul3A_195 : i32
      %add3A_197 = arith.addi %mul3A_2, %mul3A_196 : i32
      %dma_start3A_198 = arith.constant 0 : i32
      %dma_start3A_199 = arith.constant 0 : i32
      %dma_start3A_200 = arith.constant 0 : i32
      %dma_start3A_201 = arith.constant 0 : i32
      %dma_start3A_202 = tpu.memref_slice %arg6[%dma_start3A_198, %dma_start3A_199, %dma_start3A_200, %dma_start3A_201] : memref<4x4x50x64xf32, #tpu.memory_space<vmem>> -> memref<1x4x50x64xf32, #tpu.memory_space<vmem>>
      %dma_start3A_203 = tpu.memref_squeeze %dma_start3A_202 : memref<1x4x50x64xf32, #tpu.memory_space<vmem>> -> memref<4x50x64xf32, #tpu.memory_space<vmem>>
      %dma_start3A_204 = arith.constant 0 : i32
      %dma_start3A_205 = arith.constant 0 : i32
      %dma_start3A_206 = tpu.memref_slice %arg4[%add3A_197, %dma_start3A_204, %dma_start3A_205] : memref<4096x50x64xf32, #tpu.memory_space<hbm>> -> memref<4x50x64xf32, #tpu.memory_space<hbm>>
      %dma_start3A_207 = arith.constant 0 : i32
      %dma_start3A_208 = arith.constant 0 : i32
      %dma_start3A_209 = tpu.memref_slice %arg4[%add3A_197, %dma_start3A_207, %dma_start3A_208] : memref<4096x50x64xf32, #tpu.memory_space<hbm>> -> memref<4x50x64xf32, #tpu.memory_space<hbm>>
      %dma_start3A_210 = arith.constant 0 : i32
      %dma_start3A_211 = arith.constant 0 : i32
      %dma_start3A_212 = arith.constant 0 : i32
      %dma_start3A_213 = tpu.memref_slice %arg6[%dma_start3A_198, %dma_start3A_210, %dma_start3A_211, %dma_start3A_212] : memref<4x4x50x64xf32, #tpu.memory_space<vmem>> -> memref<1x4x50x64xf32, #tpu.memory_space<vmem>>
      %dma_start3A_214 = tpu.memref_squeeze %dma_start3A_213 : memref<1x4x50x64xf32, #tpu.memory_space<vmem>> -> memref<4x50x64xf32, #tpu.memory_space<vmem>>
      tpu.enqueue_dma source(%dma_start3A_214 : memref<4x50x64xf32, #tpu.memory_space<vmem>>) target(%dma_start3A_209 : memref<4x50x64xf32, #tpu.memory_space<hbm>>) target_semaphore(%arg8 : memref<!tpu.dma_semaphore, #tpu.memory_space<semaphore_mem>>)
      %mul3A_215 = arith.constant 4 : i32
      %mul3A_216 = arith.muli %scan3A_134, %mul3A_215 : i32
      %add3A_217 = arith.constant 1 : i32
      %add3A_218 = arith.addi %mul3A_216, %add3A_217 : i32
      %add3A_219 = arith.constant 1 : i32
      %add3A_220 = arith.addi %add3A_218, %add3A_219 : i32
      %lt3A_221 = arith.constant 32 : i32
      %lt3A_222 = arith.cmpi slt, %add3A_220, %lt3A_221 : i32
      %convert_element_type3A_223 = arith.extui %lt3A_222 : i1 to i32
      %cond3A_224 = arith.constant 0 : i32
      %cond3A_225 = arith.cmpi ne, %convert_element_type3A_223, %cond3A_224 : i32
      scf.if %cond3A_225 {
        %ge3A = arith.constant 3 : i32
        %ge3A_464 = arith.cmpi sge, %add3A_218, %ge3A : i32
        %convert_element_type3A_465 = arith.extui %ge3A_464 : i1 to i32
        %cond3A_466 = arith.constant 0 : i32
        %cond3A_467 = arith.cmpi ne, %convert_element_type3A_465, %cond3A_466 : i32
        scf.if %cond3A_467 {
          %dma_wait3A_534 = arith.constant 2 : i32
          %dma_wait3A_535 = arith.constant 0 : i32
          %dma_wait3A_536 = arith.constant 0 : i32
          %dma_wait3A_537 = arith.constant 0 : i32
          %dma_wait3A_538 = tpu.memref_slice %arg6[%dma_wait3A_534, %dma_wait3A_535, %dma_wait3A_536, %dma_wait3A_537] : memref<4x4x50x64xf32, #tpu.memory_space<vmem>> -> memref<1x4x50x64xf32, #tpu.memory_space<vmem>>
          %dma_wait3A_539 = tpu.memref_squeeze %dma_wait3A_538 : memref<1x4x50x64xf32, #tpu.memory_space<vmem>> -> memref<4x50x64xf32, #tpu.memory_space<vmem>>
          %dma_wait3A_540 = arith.constant 0 : i32
          %dma_wait3A_541 = arith.constant 0 : i32
          %dma_wait3A_542 = arith.constant 0 : i32
          %dma_wait3A_543 = tpu.memref_slice %arg4[%dma_wait3A_540, %dma_wait3A_541, %dma_wait3A_542] : memref<4096x50x64xf32, #tpu.memory_space<hbm>> -> memref<4x50x64xf32, #tpu.memory_space<hbm>>
          %dma_wait3A_544 = arith.constant 0 : i32
          %dma_wait3A_545 = arith.constant 0 : i32
          %dma_wait3A_546 = arith.constant 0 : i32
          %dma_wait3A_547 = tpu.memref_slice %arg4[%dma_wait3A_544, %dma_wait3A_545, %dma_wait3A_546] : memref<4096x50x64xf32, #tpu.memory_space<hbm>> -> memref<4x50x64xf32, #tpu.memory_space<hbm>>
          %dma_wait3A_548 = arith.constant 0 : i32
          %dma_wait3A_549 = arith.constant 0 : i32
          %dma_wait3A_550 = arith.constant 0 : i32
          %dma_wait3A_551 = tpu.memref_slice %arg6[%dma_wait3A_534, %dma_wait3A_548, %dma_wait3A_549, %dma_wait3A_550] : memref<4x4x50x64xf32, #tpu.memory_space<vmem>> -> memref<1x4x50x64xf32, #tpu.memory_space<vmem>>
          %dma_wait3A_552 = tpu.memref_squeeze %dma_wait3A_551 : memref<1x4x50x64xf32, #tpu.memory_space<vmem>> -> memref<4x50x64xf32, #tpu.memory_space<vmem>>
          tpu.wait_dma2 semaphore(%arg10 : memref<!tpu.dma_semaphore, #tpu.memory_space<semaphore_mem>>) src(%dma_wait3A_552 : memref<4x50x64xf32, #tpu.memory_space<vmem>>) dst(%dma_wait3A_547 : memref<4x50x64xf32, #tpu.memory_space<hbm>>)
        } else {
        }
        %add3A_468 = arith.constant 1 : i32
        %add3A_469 = arith.addi %add3A_218, %add3A_468 : i32
        %mul3A_470 = arith.constant 4 : i32
        %mul3A_471 = arith.muli %add3A_469, %mul3A_470 : i32
        %add3A_472 = arith.constant 0 : i32
        %add3A_473 = arith.addi %mul3A_471, %add3A_472 : i32
        %dma_start3A_474 = arith.constant 2 : i32
        %dma_start3A_475 = arith.constant 0 : i32
        %dma_start3A_476 = arith.constant 0 : i32
        %dma_start3A_477 = arith.constant 0 : i32
        %dma_start3A_478 = tpu.memref_slice %arg6[%dma_start3A_474, %dma_start3A_475, %dma_start3A_476, %dma_start3A_477] : memref<4x4x50x64xf32, #tpu.memory_space<vmem>> -> memref<1x1x50x64xf32, #tpu.memory_space<vmem>>
        %dma_start3A_479 = tpu.memref_squeeze %dma_start3A_478 : memref<1x1x50x64xf32, #tpu.memory_space<vmem>> -> memref<50x64xf32, #tpu.memory_space<vmem>>
        %dma_start3A_480 = arith.constant 0 : i32
        %dma_start3A_481 = tpu.memref_slice %arg5[%add3A_473, %dma_start3A_480] : memref<128x50xi32, #tpu.memory_space<vmem>> -> memref<1x50xi32, #tpu.memory_space<vmem>>
        %dma_start3A_482 = tpu.memref_squeeze %dma_start3A_481 : memref<1x50xi32, #tpu.memory_space<vmem>> -> memref<50xi32, #tpu.memory_space<vmem>>
        %dma_start3A_483 = arith.constant 0 : i32
        %dma_start3A_484 = arith.constant 0 : i32
        %dma_start3A_485 = tpu.memref_slice %arg3[%dma_start3A_483, %dma_start3A_484] : memref<1000000x64xf32, #tpu.memory_space<hbm>> -> memref<1000000x64xf32, #tpu.memory_space<hbm>>
        tpu.enqueue_indirect_dma source(%dma_start3A_485 : memref<1000000x64xf32, #tpu.memory_space<hbm>>) target(%dma_start3A_479 : memref<50x64xf32, #tpu.memory_space<vmem>>) offsets(%dma_start3A_482 : memref<50xi32, #tpu.memory_space<vmem>>) semaphore(%arg7 : memref<!tpu.dma_semaphore, #tpu.memory_space<semaphore_mem>>)
        %mul3A_486 = arith.constant 4 : i32
        %mul3A_487 = arith.muli %add3A_469, %mul3A_486 : i32
        %add3A_488 = arith.constant 1 : i32
        %add3A_489 = arith.addi %mul3A_487, %add3A_488 : i32
        %dma_start3A_490 = arith.constant 2 : i32
        %dma_start3A_491 = arith.constant 1 : i32
        %dma_start3A_492 = arith.constant 0 : i32
        %dma_start3A_493 = arith.constant 0 : i32
        %dma_start3A_494 = tpu.memref_slice %arg6[%dma_start3A_490, %dma_start3A_491, %dma_start3A_492, %dma_start3A_493] : memref<4x4x50x64xf32, #tpu.memory_space<vmem>> -> memref<1x1x50x64xf32, #tpu.memory_space<vmem>>
        %dma_start3A_495 = tpu.memref_squeeze %dma_start3A_494 : memref<1x1x50x64xf32, #tpu.memory_space<vmem>> -> memref<50x64xf32, #tpu.memory_space<vmem>>
        %dma_start3A_496 = arith.constant 0 : i32
        %dma_start3A_497 = tpu.memref_slice %arg5[%add3A_489, %dma_start3A_496] : memref<128x50xi32, #tpu.memory_space<vmem>> -> memref<1x50xi32, #tpu.memory_space<vmem>>
        %dma_start3A_498 = tpu.memref_squeeze %dma_start3A_497 : memref<1x50xi32, #tpu.memory_space<vmem>> -> memref<50xi32, #tpu.memory_space<vmem>>
        %dma_start3A_499 = arith.constant 0 : i32
        %dma_start3A_500 = arith.constant 0 : i32
        %dma_start3A_501 = tpu.memref_slice %arg3[%dma_start3A_499, %dma_start3A_500] : memref<1000000x64xf32, #tpu.memory_space<hbm>> -> memref<1000000x64xf32, #tpu.memory_space<hbm>>
        tpu.enqueue_indirect_dma source(%dma_start3A_501 : memref<1000000x64xf32, #tpu.memory_space<hbm>>) target(%dma_start3A_495 : memref<50x64xf32, #tpu.memory_space<vmem>>) offsets(%dma_start3A_498 : memref<50xi32, #tpu.memory_space<vmem>>) semaphore(%arg7 : memref<!tpu.dma_semaphore, #tpu.memory_space<semaphore_mem>>)
        %mul3A_502 = arith.constant 4 : i32
        %mul3A_503 = arith.muli %add3A_469, %mul3A_502 : i32
        %add3A_504 = arith.constant 2 : i32
        %add3A_505 = arith.addi %mul3A_503, %add3A_504 : i32
        %dma_start3A_506 = arith.constant 2 : i32
        %dma_start3A_507 = arith.constant 2 : i32
        %dma_start3A_508 = arith.constant 0 : i32
        %dma_start3A_509 = arith.constant 0 : i32
        %dma_start3A_510 = tpu.memref_slice %arg6[%dma_start3A_506, %dma_start3A_507, %dma_start3A_508, %dma_start3A_509] : memref<4x4x50x64xf32, #tpu.memory_space<vmem>> -> memref<1x1x50x64xf32, #tpu.memory_space<vmem>>
        %dma_start3A_511 = tpu.memref_squeeze %dma_start3A_510 : memref<1x1x50x64xf32, #tpu.memory_space<vmem>> -> memref<50x64xf32, #tpu.memory_space<vmem>>
        %dma_start3A_512 = arith.constant 0 : i32
        %dma_start3A_513 = tpu.memref_slice %arg5[%add3A_505, %dma_start3A_512] : memref<128x50xi32, #tpu.memory_space<vmem>> -> memref<1x50xi32, #tpu.memory_space<vmem>>
        %dma_start3A_514 = tpu.memref_squeeze %dma_start3A_513 : memref<1x50xi32, #tpu.memory_space<vmem>> -> memref<50xi32, #tpu.memory_space<vmem>>
        %dma_start3A_515 = arith.constant 0 : i32
        %dma_start3A_516 = arith.constant 0 : i32
        %dma_start3A_517 = tpu.memref_slice %arg3[%dma_start3A_515, %dma_start3A_516] : memref<1000000x64xf32, #tpu.memory_space<hbm>> -> memref<1000000x64xf32, #tpu.memory_space<hbm>>
        tpu.enqueue_indirect_dma source(%dma_start3A_517 : memref<1000000x64xf32, #tpu.memory_space<hbm>>) target(%dma_start3A_511 : memref<50x64xf32, #tpu.memory_space<vmem>>) offsets(%dma_start3A_514 : memref<50xi32, #tpu.memory_space<vmem>>) semaphore(%arg7 : memref<!tpu.dma_semaphore, #tpu.memory_space<semaphore_mem>>)
        %mul3A_518 = arith.constant 4 : i32
        %mul3A_519 = arith.muli %add3A_469, %mul3A_518 : i32
        %add3A_520 = arith.constant 3 : i32
        %add3A_521 = arith.addi %mul3A_519, %add3A_520 : i32
        %dma_start3A_522 = arith.constant 2 : i32
        %dma_start3A_523 = arith.constant 3 : i32
        %dma_start3A_524 = arith.constant 0 : i32
        %dma_start3A_525 = arith.constant 0 : i32
        %dma_start3A_526 = tpu.memref_slice %arg6[%dma_start3A_522, %dma_start3A_523, %dma_start3A_524, %dma_start3A_525] : memref<4x4x50x64xf32, #tpu.memory_space<vmem>> -> memref<1x1x50x64xf32, #tpu.memory_space<vmem>>
        %dma_start3A_527 = tpu.memref_squeeze %dma_start3A_526 : memref<1x1x50x64xf32, #tpu.memory_space<vmem>> -> memref<50x64xf32, #tpu.memory_space<vmem>>
        %dma_start3A_528 = arith.constant 0 : i32
        %dma_start3A_529 = tpu.memref_slice %arg5[%add3A_521, %dma_start3A_528] : memref<128x50xi32, #tpu.memory_space<vmem>> -> memref<1x50xi32, #tpu.memory_space<vmem>>
        %dma_start3A_530 = tpu.memref_squeeze %dma_start3A_529 : memref<1x50xi32, #tpu.memory_space<vmem>> -> memref<50xi32, #tpu.memory_space<vmem>>
        %dma_start3A_531 = arith.constant 0 : i32
        %dma_start3A_532 = arith.constant 0 : i32
        %dma_start3A_533 = tpu.memref_slice %arg3[%dma_start3A_531, %dma_start3A_532] : memref<1000000x64xf32, #tpu.memory_space<hbm>> -> memref<1000000x64xf32, #tpu.memory_space<hbm>>
        tpu.enqueue_indirect_dma source(%dma_start3A_533 : memref<1000000x64xf32, #tpu.memory_space<hbm>>) target(%dma_start3A_527 : memref<50x64xf32, #tpu.memory_space<vmem>>) offsets(%dma_start3A_530 : memref<50xi32, #tpu.memory_space<vmem>>) semaphore(%arg7 : memref<!tpu.dma_semaphore, #tpu.memory_space<semaphore_mem>>)
      } else {
      }
      %dma_wait3A_226 = arith.constant 0 : i32
      %dma_wait3A_227 = arith.constant 1 : i32
      %dma_wait3A_228 = arith.constant 0 : i32
      %dma_wait3A_229 = arith.constant 0 : i32
      %dma_wait3A_230 = arith.constant 0 : i32
      %dma_wait3A_231 = tpu.memref_slice %arg6[%dma_wait3A_227, %dma_wait3A_228, %dma_wait3A_229, %dma_wait3A_230] : memref<4x4x50x64xf32, #tpu.memory_space<vmem>> -> memref<1x1x50x64xf32, #tpu.memory_space<vmem>>
      %dma_wait3A_232 = tpu.memref_squeeze %dma_wait3A_231 : memref<1x1x50x64xf32, #tpu.memory_space<vmem>> -> memref<50x64xf32, #tpu.memory_space<vmem>>
      %dma_wait3A_233 = arith.constant 0 : i32
      %dma_wait3A_234 = tpu.memref_slice %arg5[%dma_wait3A_226, %dma_wait3A_233] : memref<128x50xi32, #tpu.memory_space<vmem>> -> memref<1x50xi32, #tpu.memory_space<vmem>>
      %dma_wait3A_235 = tpu.memref_squeeze %dma_wait3A_234 : memref<1x50xi32, #tpu.memory_space<vmem>> -> memref<50xi32, #tpu.memory_space<vmem>>
      %dma_wait3A_236 = arith.constant 0 : i32
      %dma_wait3A_237 = arith.constant 0 : i32
      %dma_wait3A_238 = tpu.memref_slice %arg3[%dma_wait3A_236, %dma_wait3A_237] : memref<1000000x64xf32, #tpu.memory_space<hbm>> -> memref<1000000x64xf32, #tpu.memory_space<hbm>>
      tpu.wait_indirect_dma semaphore(%arg7 : memref<!tpu.dma_semaphore, #tpu.memory_space<semaphore_mem>>) src(%dma_wait3A_238 : memref<1000000x64xf32, #tpu.memory_space<hbm>>) dst(%dma_wait3A_232 : memref<50x64xf32, #tpu.memory_space<vmem>>)
      %dma_wait3A_239 = arith.constant 0 : i32
      %dma_wait3A_240 = arith.constant 1 : i32
      %dma_wait3A_241 = arith.constant 1 : i32
      %dma_wait3A_242 = arith.constant 0 : i32
      %dma_wait3A_243 = arith.constant 0 : i32
      %dma_wait3A_244 = tpu.memref_slice %arg6[%dma_wait3A_240, %dma_wait3A_241, %dma_wait3A_242, %dma_wait3A_243] : memref<4x4x50x64xf32, #tpu.memory_space<vmem>> -> memref<1x1x50x64xf32, #tpu.memory_space<vmem>>
      %dma_wait3A_245 = tpu.memref_squeeze %dma_wait3A_244 : memref<1x1x50x64xf32, #tpu.memory_space<vmem>> -> memref<50x64xf32, #tpu.memory_space<vmem>>
      %dma_wait3A_246 = arith.constant 0 : i32
      %dma_wait3A_247 = tpu.memref_slice %arg5[%dma_wait3A_239, %dma_wait3A_246] : memref<128x50xi32, #tpu.memory_space<vmem>> -> memref<1x50xi32, #tpu.memory_space<vmem>>
      %dma_wait3A_248 = tpu.memref_squeeze %dma_wait3A_247 : memref<1x50xi32, #tpu.memory_space<vmem>> -> memref<50xi32, #tpu.memory_space<vmem>>
      %dma_wait3A_249 = arith.constant 0 : i32
      %dma_wait3A_250 = arith.constant 0 : i32
      %dma_wait3A_251 = tpu.memref_slice %arg3[%dma_wait3A_249, %dma_wait3A_250] : memref<1000000x64xf32, #tpu.memory_space<hbm>> -> memref<1000000x64xf32, #tpu.memory_space<hbm>>
      tpu.wait_indirect_dma semaphore(%arg7 : memref<!tpu.dma_semaphore, #tpu.memory_space<semaphore_mem>>) src(%dma_wait3A_251 : memref<1000000x64xf32, #tpu.memory_space<hbm>>) dst(%dma_wait3A_245 : memref<50x64xf32, #tpu.memory_space<vmem>>)
      %dma_wait3A_252 = arith.constant 0 : i32
      %dma_wait3A_253 = arith.constant 1 : i32
      %dma_wait3A_254 = arith.constant 2 : i32
      %dma_wait3A_255 = arith.constant 0 : i32
      %dma_wait3A_256 = arith.constant 0 : i32
      %dma_wait3A_257 = tpu.memref_slice %arg6[%dma_wait3A_253, %dma_wait3A_254, %dma_wait3A_255, %dma_wait3A_256] : memref<4x4x50x64xf32, #tpu.memory_space<vmem>> -> memref<1x1x50x64xf32, #tpu.memory_space<vmem>>
      %dma_wait3A_258 = tpu.memref_squeeze %dma_wait3A_257 : memref<1x1x50x64xf32, #tpu.memory_space<vmem>> -> memref<50x64xf32, #tpu.memory_space<vmem>>
      %dma_wait3A_259 = arith.constant 0 : i32
      %dma_wait3A_260 = tpu.memref_slice %arg5[%dma_wait3A_252, %dma_wait3A_259] : memref<128x50xi32, #tpu.memory_space<vmem>> -> memref<1x50xi32, #tpu.memory_space<vmem>>
      %dma_wait3A_261 = tpu.memref_squeeze %dma_wait3A_260 : memref<1x50xi32, #tpu.memory_space<vmem>> -> memref<50xi32, #tpu.memory_space<vmem>>
      %dma_wait3A_262 = arith.constant 0 : i32
      %dma_wait3A_263 = arith.constant 0 : i32
      %dma_wait3A_264 = tpu.memref_slice %arg3[%dma_wait3A_262, %dma_wait3A_263] : memref<1000000x64xf32, #tpu.memory_space<hbm>> -> memref<1000000x64xf32, #tpu.memory_space<hbm>>
      tpu.wait_indirect_dma semaphore(%arg7 : memref<!tpu.dma_semaphore, #tpu.memory_space<semaphore_mem>>) src(%dma_wait3A_264 : memref<1000000x64xf32, #tpu.memory_space<hbm>>) dst(%dma_wait3A_258 : memref<50x64xf32, #tpu.memory_space<vmem>>)
      %dma_wait3A_265 = arith.constant 0 : i32
      %dma_wait3A_266 = arith.constant 1 : i32
      %dma_wait3A_267 = arith.constant 3 : i32
      %dma_wait3A_268 = arith.constant 0 : i32
      %dma_wait3A_269 = arith.constant 0 : i32
      %dma_wait3A_270 = tpu.memref_slice %arg6[%dma_wait3A_266, %dma_wait3A_267, %dma_wait3A_268, %dma_wait3A_269] : memref<4x4x50x64xf32, #tpu.memory_space<vmem>> -> memref<1x1x50x64xf32, #tpu.memory_space<vmem>>
      %dma_wait3A_271 = tpu.memref_squeeze %dma_wait3A_270 : memref<1x1x50x64xf32, #tpu.memory_space<vmem>> -> memref<50x64xf32, #tpu.memory_space<vmem>>
      %dma_wait3A_272 = arith.constant 0 : i32
      %dma_wait3A_273 = tpu.memref_slice %arg5[%dma_wait3A_265, %dma_wait3A_272] : memref<128x50xi32, #tpu.memory_space<vmem>> -> memref<1x50xi32, #tpu.memory_space<vmem>>
      %dma_wait3A_274 = tpu.memref_squeeze %dma_wait3A_273 : memref<1x50xi32, #tpu.memory_space<vmem>> -> memref<50xi32, #tpu.memory_space<vmem>>
      %dma_wait3A_275 = arith.constant 0 : i32
      %dma_wait3A_276 = arith.constant 0 : i32
      %dma_wait3A_277 = tpu.memref_slice %arg3[%dma_wait3A_275, %dma_wait3A_276] : memref<1000000x64xf32, #tpu.memory_space<hbm>> -> memref<1000000x64xf32, #tpu.memory_space<hbm>>
      tpu.wait_indirect_dma semaphore(%arg7 : memref<!tpu.dma_semaphore, #tpu.memory_space<semaphore_mem>>) src(%dma_wait3A_277 : memref<1000000x64xf32, #tpu.memory_space<hbm>>) dst(%dma_wait3A_271 : memref<50x64xf32, #tpu.memory_space<vmem>>)
      %mul3A_278 = arith.constant 4 : i32
      %mul3A_279 = arith.muli %add3A_218, %mul3A_278 : i32
      %add3A_280 = arith.addi %mul3A_2, %mul3A_279 : i32
      %dma_start3A_281 = arith.constant 1 : i32
      %dma_start3A_282 = arith.constant 0 : i32
      %dma_start3A_283 = arith.constant 0 : i32
      %dma_start3A_284 = arith.constant 0 : i32
      %dma_start3A_285 = tpu.memref_slice %arg6[%dma_start3A_281, %dma_start3A_282, %dma_start3A_283, %dma_start3A_284] : memref<4x4x50x64xf32, #tpu.memory_space<vmem>> -> memref<1x4x50x64xf32, #tpu.memory_space<vmem>>
      %dma_start3A_286 = tpu.memref_squeeze %dma_start3A_285 : memref<1x4x50x64xf32, #tpu.memory_space<vmem>> -> memref<4x50x64xf32, #tpu.memory_space<vmem>>
      %dma_start3A_287 = arith.constant 0 : i32
      %dma_start3A_288 = arith.constant 0 : i32
      %dma_start3A_289 = tpu.memref_slice %arg4[%add3A_280, %dma_start3A_287, %dma_start3A_288] : memref<4096x50x64xf32, #tpu.memory_space<hbm>> -> memref<4x50x64xf32, #tpu.memory_space<hbm>>
      %dma_start3A_290 = arith.constant 0 : i32
      %dma_start3A_291 = arith.constant 0 : i32
      %dma_start3A_292 = tpu.memref_slice %arg4[%add3A_280, %dma_start3A_290, %dma_start3A_291] : memref<4096x50x64xf32, #tpu.memory_space<hbm>> -> memref<4x50x64xf32, #tpu.memory_space<hbm>>
      %dma_start3A_293 = arith.constant 0 : i32
      %dma_start3A_294 = arith.constant 0 : i32
      %dma_start3A_295 = arith.constant 0 : i32
      %dma_start3A_296 = tpu.memref_slice %arg6[%dma_start3A_281, %dma_start3A_293, %dma_start3A_294, %dma_start3A_295] : memref<4x4x50x64xf32, #tpu.memory_space<vmem>> -> memref<1x4x50x64xf32, #tpu.memory_space<vmem>>
      %dma_start3A_297 = tpu.memref_squeeze %dma_start3A_296 : memref<1x4x50x64xf32, #tpu.memory_space<vmem>> -> memref<4x50x64xf32, #tpu.memory_space<vmem>>
      tpu.enqueue_dma source(%dma_start3A_297 : memref<4x50x64xf32, #tpu.memory_space<vmem>>) target(%dma_start3A_292 : memref<4x50x64xf32, #tpu.memory_space<hbm>>) target_semaphore(%arg9 : memref<!tpu.dma_semaphore, #tpu.memory_space<semaphore_mem>>)
      %mul3A_298 = arith.constant 4 : i32
      %mul3A_299 = arith.muli %scan3A_134, %mul3A_298 : i32
      %add3A_300 = arith.constant 2 : i32
      %add3A_301 = arith.addi %mul3A_299, %add3A_300 : i32
      %add3A_302 = arith.constant 1 : i32
      %add3A_303 = arith.addi %add3A_301, %add3A_302 : i32
      %lt3A_304 = arith.constant 32 : i32
      %lt3A_305 = arith.cmpi slt, %add3A_303, %lt3A_304 : i32
      %convert_element_type3A_306 = arith.extui %lt3A_305 : i1 to i32
      %cond3A_307 = arith.constant 0 : i32
      %cond3A_308 = arith.cmpi ne, %convert_element_type3A_306, %cond3A_307 : i32
      scf.if %cond3A_308 {
        %ge3A = arith.constant 3 : i32
        %ge3A_464 = arith.cmpi sge, %add3A_301, %ge3A : i32
        %convert_element_type3A_465 = arith.extui %ge3A_464 : i1 to i32
        %cond3A_466 = arith.constant 0 : i32
        %cond3A_467 = arith.cmpi ne, %convert_element_type3A_465, %cond3A_466 : i32
        scf.if %cond3A_467 {
          %dma_wait3A_534 = arith.constant 3 : i32
          %dma_wait3A_535 = arith.constant 0 : i32
          %dma_wait3A_536 = arith.constant 0 : i32
          %dma_wait3A_537 = arith.constant 0 : i32
          %dma_wait3A_538 = tpu.memref_slice %arg6[%dma_wait3A_534, %dma_wait3A_535, %dma_wait3A_536, %dma_wait3A_537] : memref<4x4x50x64xf32, #tpu.memory_space<vmem>> -> memref<1x4x50x64xf32, #tpu.memory_space<vmem>>
          %dma_wait3A_539 = tpu.memref_squeeze %dma_wait3A_538 : memref<1x4x50x64xf32, #tpu.memory_space<vmem>> -> memref<4x50x64xf32, #tpu.memory_space<vmem>>
          %dma_wait3A_540 = arith.constant 0 : i32
          %dma_wait3A_541 = arith.constant 0 : i32
          %dma_wait3A_542 = arith.constant 0 : i32
          %dma_wait3A_543 = tpu.memref_slice %arg4[%dma_wait3A_540, %dma_wait3A_541, %dma_wait3A_542] : memref<4096x50x64xf32, #tpu.memory_space<hbm>> -> memref<4x50x64xf32, #tpu.memory_space<hbm>>
          %dma_wait3A_544 = arith.constant 0 : i32
          %dma_wait3A_545 = arith.constant 0 : i32
          %dma_wait3A_546 = arith.constant 0 : i32
          %dma_wait3A_547 = tpu.memref_slice %arg4[%dma_wait3A_544, %dma_wait3A_545, %dma_wait3A_546] : memref<4096x50x64xf32, #tpu.memory_space<hbm>> -> memref<4x50x64xf32, #tpu.memory_space<hbm>>
          %dma_wait3A_548 = arith.constant 0 : i32
          %dma_wait3A_549 = arith.constant 0 : i32
          %dma_wait3A_550 = arith.constant 0 : i32
          %dma_wait3A_551 = tpu.memref_slice %arg6[%dma_wait3A_534, %dma_wait3A_548, %dma_wait3A_549, %dma_wait3A_550] : memref<4x4x50x64xf32, #tpu.memory_space<vmem>> -> memref<1x4x50x64xf32, #tpu.memory_space<vmem>>
          %dma_wait3A_552 = tpu.memref_squeeze %dma_wait3A_551 : memref<1x4x50x64xf32, #tpu.memory_space<vmem>> -> memref<4x50x64xf32, #tpu.memory_space<vmem>>
          tpu.wait_dma2 semaphore(%arg11 : memref<!tpu.dma_semaphore, #tpu.memory_space<semaphore_mem>>) src(%dma_wait3A_552 : memref<4x50x64xf32, #tpu.memory_space<vmem>>) dst(%dma_wait3A_547 : memref<4x50x64xf32, #tpu.memory_space<hbm>>)
        } else {
        }
        %add3A_468 = arith.constant 1 : i32
        %add3A_469 = arith.addi %add3A_301, %add3A_468 : i32
        %mul3A_470 = arith.constant 4 : i32
        %mul3A_471 = arith.muli %add3A_469, %mul3A_470 : i32
        %add3A_472 = arith.constant 0 : i32
        %add3A_473 = arith.addi %mul3A_471, %add3A_472 : i32
        %dma_start3A_474 = arith.constant 3 : i32
        %dma_start3A_475 = arith.constant 0 : i32
        %dma_start3A_476 = arith.constant 0 : i32
        %dma_start3A_477 = arith.constant 0 : i32
        %dma_start3A_478 = tpu.memref_slice %arg6[%dma_start3A_474, %dma_start3A_475, %dma_start3A_476, %dma_start3A_477] : memref<4x4x50x64xf32, #tpu.memory_space<vmem>> -> memref<1x1x50x64xf32, #tpu.memory_space<vmem>>
        %dma_start3A_479 = tpu.memref_squeeze %dma_start3A_478 : memref<1x1x50x64xf32, #tpu.memory_space<vmem>> -> memref<50x64xf32, #tpu.memory_space<vmem>>
        %dma_start3A_480 = arith.constant 0 : i32
        %dma_start3A_481 = tpu.memref_slice %arg5[%add3A_473, %dma_start3A_480] : memref<128x50xi32, #tpu.memory_space<vmem>> -> memref<1x50xi32, #tpu.memory_space<vmem>>
        %dma_start3A_482 = tpu.memref_squeeze %dma_start3A_481 : memref<1x50xi32, #tpu.memory_space<vmem>> -> memref<50xi32, #tpu.memory_space<vmem>>
        %dma_start3A_483 = arith.constant 0 : i32
        %dma_start3A_484 = arith.constant 0 : i32
        %dma_start3A_485 = tpu.memref_slice %arg3[%dma_start3A_483, %dma_start3A_484] : memref<1000000x64xf32, #tpu.memory_space<hbm>> -> memref<1000000x64xf32, #tpu.memory_space<hbm>>
        tpu.enqueue_indirect_dma source(%dma_start3A_485 : memref<1000000x64xf32, #tpu.memory_space<hbm>>) target(%dma_start3A_479 : memref<50x64xf32, #tpu.memory_space<vmem>>) offsets(%dma_start3A_482 : memref<50xi32, #tpu.memory_space<vmem>>) semaphore(%arg7 : memref<!tpu.dma_semaphore, #tpu.memory_space<semaphore_mem>>)
        %mul3A_486 = arith.constant 4 : i32
        %mul3A_487 = arith.muli %add3A_469, %mul3A_486 : i32
        %add3A_488 = arith.constant 1 : i32
        %add3A_489 = arith.addi %mul3A_487, %add3A_488 : i32
        %dma_start3A_490 = arith.constant 3 : i32
        %dma_start3A_491 = arith.constant 1 : i32
        %dma_start3A_492 = arith.constant 0 : i32
        %dma_start3A_493 = arith.constant 0 : i32
        %dma_start3A_494 = tpu.memref_slice %arg6[%dma_start3A_490, %dma_start3A_491, %dma_start3A_492, %dma_start3A_493] : memref<4x4x50x64xf32, #tpu.memory_space<vmem>> -> memref<1x1x50x64xf32, #tpu.memory_space<vmem>>
        %dma_start3A_495 = tpu.memref_squeeze %dma_start3A_494 : memref<1x1x50x64xf32, #tpu.memory_space<vmem>> -> memref<50x64xf32, #tpu.memory_space<vmem>>
        %dma_start3A_496 = arith.constant 0 : i32
        %dma_start3A_497 = tpu.memref_slice %arg5[%add3A_489, %dma_start3A_496] : memref<128x50xi32, #tpu.memory_space<vmem>> -> memref<1x50xi32, #tpu.memory_space<vmem>>
        %dma_start3A_498 = tpu.memref_squeeze %dma_start3A_497 : memref<1x50xi32, #tpu.memory_space<vmem>> -> memref<50xi32, #tpu.memory_space<vmem>>
        %dma_start3A_499 = arith.constant 0 : i32
        %dma_start3A_500 = arith.constant 0 : i32
        %dma_start3A_501 = tpu.memref_slice %arg3[%dma_start3A_499, %dma_start3A_500] : memref<1000000x64xf32, #tpu.memory_space<hbm>> -> memref<1000000x64xf32, #tpu.memory_space<hbm>>
        tpu.enqueue_indirect_dma source(%dma_start3A_501 : memref<1000000x64xf32, #tpu.memory_space<hbm>>) target(%dma_start3A_495 : memref<50x64xf32, #tpu.memory_space<vmem>>) offsets(%dma_start3A_498 : memref<50xi32, #tpu.memory_space<vmem>>) semaphore(%arg7 : memref<!tpu.dma_semaphore, #tpu.memory_space<semaphore_mem>>)
        %mul3A_502 = arith.constant 4 : i32
        %mul3A_503 = arith.muli %add3A_469, %mul3A_502 : i32
        %add3A_504 = arith.constant 2 : i32
        %add3A_505 = arith.addi %mul3A_503, %add3A_504 : i32
        %dma_start3A_506 = arith.constant 3 : i32
        %dma_start3A_507 = arith.constant 2 : i32
        %dma_start3A_508 = arith.constant 0 : i32
        %dma_start3A_509 = arith.constant 0 : i32
        %dma_start3A_510 = tpu.memref_slice %arg6[%dma_start3A_506, %dma_start3A_507, %dma_start3A_508, %dma_start3A_509] : memref<4x4x50x64xf32, #tpu.memory_space<vmem>> -> memref<1x1x50x64xf32, #tpu.memory_space<vmem>>
        %dma_start3A_511 = tpu.memref_squeeze %dma_start3A_510 : memref<1x1x50x64xf32, #tpu.memory_space<vmem>> -> memref<50x64xf32, #tpu.memory_space<vmem>>
        %dma_start3A_512 = arith.constant 0 : i32
        %dma_start3A_513 = tpu.memref_slice %arg5[%add3A_505, %dma_start3A_512] : memref<128x50xi32, #tpu.memory_space<vmem>> -> memref<1x50xi32, #tpu.memory_space<vmem>>
        %dma_start3A_514 = tpu.memref_squeeze %dma_start3A_513 : memref<1x50xi32, #tpu.memory_space<vmem>> -> memref<50xi32, #tpu.memory_space<vmem>>
        %dma_start3A_515 = arith.constant 0 : i32
        %dma_start3A_516 = arith.constant 0 : i32
        %dma_start3A_517 = tpu.memref_slice %arg3[%dma_start3A_515, %dma_start3A_516] : memref<1000000x64xf32, #tpu.memory_space<hbm>> -> memref<1000000x64xf32, #tpu.memory_space<hbm>>
        tpu.enqueue_indirect_dma source(%dma_start3A_517 : memref<1000000x64xf32, #tpu.memory_space<hbm>>) target(%dma_start3A_511 : memref<50x64xf32, #tpu.memory_space<vmem>>) offsets(%dma_start3A_514 : memref<50xi32, #tpu.memory_space<vmem>>) semaphore(%arg7 : memref<!tpu.dma_semaphore, #tpu.memory_space<semaphore_mem>>)
        %mul3A_518 = arith.constant 4 : i32
        %mul3A_519 = arith.muli %add3A_469, %mul3A_518 : i32
        %add3A_520 = arith.constant 3 : i32
        %add3A_521 = arith.addi %mul3A_519, %add3A_520 : i32
        %dma_start3A_522 = arith.constant 3 : i32
        %dma_start3A_523 = arith.constant 3 : i32
        %dma_start3A_524 = arith.constant 0 : i32
        %dma_start3A_525 = arith.constant 0 : i32
        %dma_start3A_526 = tpu.memref_slice %arg6[%dma_start3A_522, %dma_start3A_523, %dma_start3A_524, %dma_start3A_525] : memref<4x4x50x64xf32, #tpu.memory_space<vmem>> -> memref<1x1x50x64xf32, #tpu.memory_space<vmem>>
        %dma_start3A_527 = tpu.memref_squeeze %dma_start3A_526 : memref<1x1x50x64xf32, #tpu.memory_space<vmem>> -> memref<50x64xf32, #tpu.memory_space<vmem>>
        %dma_start3A_528 = arith.constant 0 : i32
        %dma_start3A_529 = tpu.memref_slice %arg5[%add3A_521, %dma_start3A_528] : memref<128x50xi32, #tpu.memory_space<vmem>> -> memref<1x50xi32, #tpu.memory_space<vmem>>
        %dma_start3A_530 = tpu.memref_squeeze %dma_start3A_529 : memref<1x50xi32, #tpu.memory_space<vmem>> -> memref<50xi32, #tpu.memory_space<vmem>>
        %dma_start3A_531 = arith.constant 0 : i32
        %dma_start3A_532 = arith.constant 0 : i32
        %dma_start3A_533 = tpu.memref_slice %arg3[%dma_start3A_531, %dma_start3A_532] : memref<1000000x64xf32, #tpu.memory_space<hbm>> -> memref<1000000x64xf32, #tpu.memory_space<hbm>>
        tpu.enqueue_indirect_dma source(%dma_start3A_533 : memref<1000000x64xf32, #tpu.memory_space<hbm>>) target(%dma_start3A_527 : memref<50x64xf32, #tpu.memory_space<vmem>>) offsets(%dma_start3A_530 : memref<50xi32, #tpu.memory_space<vmem>>) semaphore(%arg7 : memref<!tpu.dma_semaphore, #tpu.memory_space<semaphore_mem>>)
      } else {
      }
      %dma_wait3A_309 = arith.constant 0 : i32
      %dma_wait3A_310 = arith.constant 2 : i32
      %dma_wait3A_311 = arith.constant 0 : i32
      %dma_wait3A_312 = arith.constant 0 : i32
      %dma_wait3A_313 = arith.constant 0 : i32
      %dma_wait3A_314 = tpu.memref_slice %arg6[%dma_wait3A_310, %dma_wait3A_311, %dma_wait3A_312, %dma_wait3A_313] : memref<4x4x50x64xf32, #tpu.memory_space<vmem>> -> memref<1x1x50x64xf32, #tpu.memory_space<vmem>>
      %dma_wait3A_315 = tpu.memref_squeeze %dma_wait3A_314 : memref<1x1x50x64xf32, #tpu.memory_space<vmem>> -> memref<50x64xf32, #tpu.memory_space<vmem>>
      %dma_wait3A_316 = arith.constant 0 : i32
      %dma_wait3A_317 = tpu.memref_slice %arg5[%dma_wait3A_309, %dma_wait3A_316] : memref<128x50xi32, #tpu.memory_space<vmem>> -> memref<1x50xi32, #tpu.memory_space<vmem>>
      %dma_wait3A_318 = tpu.memref_squeeze %dma_wait3A_317 : memref<1x50xi32, #tpu.memory_space<vmem>> -> memref<50xi32, #tpu.memory_space<vmem>>
      %dma_wait3A_319 = arith.constant 0 : i32
      %dma_wait3A_320 = arith.constant 0 : i32
      %dma_wait3A_321 = tpu.memref_slice %arg3[%dma_wait3A_319, %dma_wait3A_320] : memref<1000000x64xf32, #tpu.memory_space<hbm>> -> memref<1000000x64xf32, #tpu.memory_space<hbm>>
      tpu.wait_indirect_dma semaphore(%arg7 : memref<!tpu.dma_semaphore, #tpu.memory_space<semaphore_mem>>) src(%dma_wait3A_321 : memref<1000000x64xf32, #tpu.memory_space<hbm>>) dst(%dma_wait3A_315 : memref<50x64xf32, #tpu.memory_space<vmem>>)
      %dma_wait3A_322 = arith.constant 0 : i32
      %dma_wait3A_323 = arith.constant 2 : i32
      %dma_wait3A_324 = arith.constant 1 : i32
      %dma_wait3A_325 = arith.constant 0 : i32
      %dma_wait3A_326 = arith.constant 0 : i32
      %dma_wait3A_327 = tpu.memref_slice %arg6[%dma_wait3A_323, %dma_wait3A_324, %dma_wait3A_325, %dma_wait3A_326] : memref<4x4x50x64xf32, #tpu.memory_space<vmem>> -> memref<1x1x50x64xf32, #tpu.memory_space<vmem>>
      %dma_wait3A_328 = tpu.memref_squeeze %dma_wait3A_327 : memref<1x1x50x64xf32, #tpu.memory_space<vmem>> -> memref<50x64xf32, #tpu.memory_space<vmem>>
      %dma_wait3A_329 = arith.constant 0 : i32
      %dma_wait3A_330 = tpu.memref_slice %arg5[%dma_wait3A_322, %dma_wait3A_329] : memref<128x50xi32, #tpu.memory_space<vmem>> -> memref<1x50xi32, #tpu.memory_space<vmem>>
      %dma_wait3A_331 = tpu.memref_squeeze %dma_wait3A_330 : memref<1x50xi32, #tpu.memory_space<vmem>> -> memref<50xi32, #tpu.memory_space<vmem>>
      %dma_wait3A_332 = arith.constant 0 : i32
      %dma_wait3A_333 = arith.constant 0 : i32
      %dma_wait3A_334 = tpu.memref_slice %arg3[%dma_wait3A_332, %dma_wait3A_333] : memref<1000000x64xf32, #tpu.memory_space<hbm>> -> memref<1000000x64xf32, #tpu.memory_space<hbm>>
      tpu.wait_indirect_dma semaphore(%arg7 : memref<!tpu.dma_semaphore, #tpu.memory_space<semaphore_mem>>) src(%dma_wait3A_334 : memref<1000000x64xf32, #tpu.memory_space<hbm>>) dst(%dma_wait3A_328 : memref<50x64xf32, #tpu.memory_space<vmem>>)
      %dma_wait3A_335 = arith.constant 0 : i32
      %dma_wait3A_336 = arith.constant 2 : i32
      %dma_wait3A_337 = arith.constant 2 : i32
      %dma_wait3A_338 = arith.constant 0 : i32
      %dma_wait3A_339 = arith.constant 0 : i32
      %dma_wait3A_340 = tpu.memref_slice %arg6[%dma_wait3A_336, %dma_wait3A_337, %dma_wait3A_338, %dma_wait3A_339] : memref<4x4x50x64xf32, #tpu.memory_space<vmem>> -> memref<1x1x50x64xf32, #tpu.memory_space<vmem>>
      %dma_wait3A_341 = tpu.memref_squeeze %dma_wait3A_340 : memref<1x1x50x64xf32, #tpu.memory_space<vmem>> -> memref<50x64xf32, #tpu.memory_space<vmem>>
      %dma_wait3A_342 = arith.constant 0 : i32
      %dma_wait3A_343 = tpu.memref_slice %arg5[%dma_wait3A_335, %dma_wait3A_342] : memref<128x50xi32, #tpu.memory_space<vmem>> -> memref<1x50xi32, #tpu.memory_space<vmem>>
      %dma_wait3A_344 = tpu.memref_squeeze %dma_wait3A_343 : memref<1x50xi32, #tpu.memory_space<vmem>> -> memref<50xi32, #tpu.memory_space<vmem>>
      %dma_wait3A_345 = arith.constant 0 : i32
      %dma_wait3A_346 = arith.constant 0 : i32
      %dma_wait3A_347 = tpu.memref_slice %arg3[%dma_wait3A_345, %dma_wait3A_346] : memref<1000000x64xf32, #tpu.memory_space<hbm>> -> memref<1000000x64xf32, #tpu.memory_space<hbm>>
      tpu.wait_indirect_dma semaphore(%arg7 : memref<!tpu.dma_semaphore, #tpu.memory_space<semaphore_mem>>) src(%dma_wait3A_347 : memref<1000000x64xf32, #tpu.memory_space<hbm>>) dst(%dma_wait3A_341 : memref<50x64xf32, #tpu.memory_space<vmem>>)
      %dma_wait3A_348 = arith.constant 0 : i32
      %dma_wait3A_349 = arith.constant 2 : i32
      %dma_wait3A_350 = arith.constant 3 : i32
      %dma_wait3A_351 = arith.constant 0 : i32
      %dma_wait3A_352 = arith.constant 0 : i32
      %dma_wait3A_353 = tpu.memref_slice %arg6[%dma_wait3A_349, %dma_wait3A_350, %dma_wait3A_351, %dma_wait3A_352] : memref<4x4x50x64xf32, #tpu.memory_space<vmem>> -> memref<1x1x50x64xf32, #tpu.memory_space<vmem>>
      %dma_wait3A_354 = tpu.memref_squeeze %dma_wait3A_353 : memref<1x1x50x64xf32, #tpu.memory_space<vmem>> -> memref<50x64xf32, #tpu.memory_space<vmem>>
      %dma_wait3A_355 = arith.constant 0 : i32
      %dma_wait3A_356 = tpu.memref_slice %arg5[%dma_wait3A_348, %dma_wait3A_355] : memref<128x50xi32, #tpu.memory_space<vmem>> -> memref<1x50xi32, #tpu.memory_space<vmem>>
      %dma_wait3A_357 = tpu.memref_squeeze %dma_wait3A_356 : memref<1x50xi32, #tpu.memory_space<vmem>> -> memref<50xi32, #tpu.memory_space<vmem>>
      %dma_wait3A_358 = arith.constant 0 : i32
      %dma_wait3A_359 = arith.constant 0 : i32
      %dma_wait3A_360 = tpu.memref_slice %arg3[%dma_wait3A_358, %dma_wait3A_359] : memref<1000000x64xf32, #tpu.memory_space<hbm>> -> memref<1000000x64xf32, #tpu.memory_space<hbm>>
      tpu.wait_indirect_dma semaphore(%arg7 : memref<!tpu.dma_semaphore, #tpu.memory_space<semaphore_mem>>) src(%dma_wait3A_360 : memref<1000000x64xf32, #tpu.memory_space<hbm>>) dst(%dma_wait3A_354 : memref<50x64xf32, #tpu.memory_space<vmem>>)
      %mul3A_361 = arith.constant 4 : i32
      %mul3A_362 = arith.muli %add3A_301, %mul3A_361 : i32
      %add3A_363 = arith.addi %mul3A_2, %mul3A_362 : i32
      %dma_start3A_364 = arith.constant 2 : i32
      %dma_start3A_365 = arith.constant 0 : i32
      %dma_start3A_366 = arith.constant 0 : i32
      %dma_start3A_367 = arith.constant 0 : i32
      %dma_start3A_368 = tpu.memref_slice %arg6[%dma_start3A_364, %dma_start3A_365, %dma_start3A_366, %dma_start3A_367] : memref<4x4x50x64xf32, #tpu.memory_space<vmem>> -> memref<1x4x50x64xf32, #tpu.memory_space<vmem>>
      %dma_start3A_369 = tpu.memref_squeeze %dma_start3A_368 : memref<1x4x50x64xf32, #tpu.memory_space<vmem>> -> memref<4x50x64xf32, #tpu.memory_space<vmem>>
      %dma_start3A_370 = arith.constant 0 : i32
      %dma_start3A_371 = arith.constant 0 : i32
      %dma_start3A_372 = tpu.memref_slice %arg4[%add3A_363, %dma_start3A_370, %dma_start3A_371] : memref<4096x50x64xf32, #tpu.memory_space<hbm>> -> memref<4x50x64xf32, #tpu.memory_space<hbm>>
      %dma_start3A_373 = arith.constant 0 : i32
      %dma_start3A_374 = arith.constant 0 : i32
      %dma_start3A_375 = tpu.memref_slice %arg4[%add3A_363, %dma_start3A_373, %dma_start3A_374] : memref<4096x50x64xf32, #tpu.memory_space<hbm>> -> memref<4x50x64xf32, #tpu.memory_space<hbm>>
      %dma_start3A_376 = arith.constant 0 : i32
      %dma_start3A_377 = arith.constant 0 : i32
      %dma_start3A_378 = arith.constant 0 : i32
      %dma_start3A_379 = tpu.memref_slice %arg6[%dma_start3A_364, %dma_start3A_376, %dma_start3A_377, %dma_start3A_378] : memref<4x4x50x64xf32, #tpu.memory_space<vmem>> -> memref<1x4x50x64xf32, #tpu.memory_space<vmem>>
      %dma_start3A_380 = tpu.memref_squeeze %dma_start3A_379 : memref<1x4x50x64xf32, #tpu.memory_space<vmem>> -> memref<4x50x64xf32, #tpu.memory_space<vmem>>
      tpu.enqueue_dma source(%dma_start3A_380 : memref<4x50x64xf32, #tpu.memory_space<vmem>>) target(%dma_start3A_375 : memref<4x50x64xf32, #tpu.memory_space<hbm>>) target_semaphore(%arg10 : memref<!tpu.dma_semaphore, #tpu.memory_space<semaphore_mem>>)
      %mul3A_381 = arith.constant 4 : i32
      %mul3A_382 = arith.muli %scan3A_134, %mul3A_381 : i32
      %add3A_383 = arith.constant 3 : i32
      %add3A_384 = arith.addi %mul3A_382, %add3A_383 : i32
      %add3A_385 = arith.constant 1 : i32
      %add3A_386 = arith.addi %add3A_384, %add3A_385 : i32
      %lt3A_387 = arith.constant 32 : i32
      %lt3A_388 = arith.cmpi slt, %add3A_386, %lt3A_387 : i32
      %convert_element_type3A_389 = arith.extui %lt3A_388 : i1 to i32
      %cond3A_390 = arith.constant 0 : i32
      %cond3A_391 = arith.cmpi ne, %convert_element_type3A_389, %cond3A_390 : i32
      scf.if %cond3A_391 {
        %ge3A = arith.constant 3 : i32
        %ge3A_464 = arith.cmpi sge, %add3A_384, %ge3A : i32
        %convert_element_type3A_465 = arith.extui %ge3A_464 : i1 to i32
        %cond3A_466 = arith.constant 0 : i32
        %cond3A_467 = arith.cmpi ne, %convert_element_type3A_465, %cond3A_466 : i32
        scf.if %cond3A_467 {
          %dma_wait3A_534 = arith.constant 0 : i32
          %dma_wait3A_535 = arith.constant 0 : i32
          %dma_wait3A_536 = arith.constant 0 : i32
          %dma_wait3A_537 = arith.constant 0 : i32
          %dma_wait3A_538 = tpu.memref_slice %arg6[%dma_wait3A_534, %dma_wait3A_535, %dma_wait3A_536, %dma_wait3A_537] : memref<4x4x50x64xf32, #tpu.memory_space<vmem>> -> memref<1x4x50x64xf32, #tpu.memory_space<vmem>>
          %dma_wait3A_539 = tpu.memref_squeeze %dma_wait3A_538 : memref<1x4x50x64xf32, #tpu.memory_space<vmem>> -> memref<4x50x64xf32, #tpu.memory_space<vmem>>
          %dma_wait3A_540 = arith.constant 0 : i32
          %dma_wait3A_541 = arith.constant 0 : i32
          %dma_wait3A_542 = arith.constant 0 : i32
          %dma_wait3A_543 = tpu.memref_slice %arg4[%dma_wait3A_540, %dma_wait3A_541, %dma_wait3A_542] : memref<4096x50x64xf32, #tpu.memory_space<hbm>> -> memref<4x50x64xf32, #tpu.memory_space<hbm>>
          %dma_wait3A_544 = arith.constant 0 : i32
          %dma_wait3A_545 = arith.constant 0 : i32
          %dma_wait3A_546 = arith.constant 0 : i32
          %dma_wait3A_547 = tpu.memref_slice %arg4[%dma_wait3A_544, %dma_wait3A_545, %dma_wait3A_546] : memref<4096x50x64xf32, #tpu.memory_space<hbm>> -> memref<4x50x64xf32, #tpu.memory_space<hbm>>
          %dma_wait3A_548 = arith.constant 0 : i32
          %dma_wait3A_549 = arith.constant 0 : i32
          %dma_wait3A_550 = arith.constant 0 : i32
          %dma_wait3A_551 = tpu.memref_slice %arg6[%dma_wait3A_534, %dma_wait3A_548, %dma_wait3A_549, %dma_wait3A_550] : memref<4x4x50x64xf32, #tpu.memory_space<vmem>> -> memref<1x4x50x64xf32, #tpu.memory_space<vmem>>
          %dma_wait3A_552 = tpu.memref_squeeze %dma_wait3A_551 : memref<1x4x50x64xf32, #tpu.memory_space<vmem>> -> memref<4x50x64xf32, #tpu.memory_space<vmem>>
          tpu.wait_dma2 semaphore(%arg8 : memref<!tpu.dma_semaphore, #tpu.memory_space<semaphore_mem>>) src(%dma_wait3A_552 : memref<4x50x64xf32, #tpu.memory_space<vmem>>) dst(%dma_wait3A_547 : memref<4x50x64xf32, #tpu.memory_space<hbm>>)
        } else {
        }
        %add3A_468 = arith.constant 1 : i32
        %add3A_469 = arith.addi %add3A_384, %add3A_468 : i32
        %mul3A_470 = arith.constant 4 : i32
        %mul3A_471 = arith.muli %add3A_469, %mul3A_470 : i32
        %add3A_472 = arith.constant 0 : i32
        %add3A_473 = arith.addi %mul3A_471, %add3A_472 : i32
        %dma_start3A_474 = arith.constant 0 : i32
        %dma_start3A_475 = arith.constant 0 : i32
        %dma_start3A_476 = arith.constant 0 : i32
        %dma_start3A_477 = arith.constant 0 : i32
        %dma_start3A_478 = tpu.memref_slice %arg6[%dma_start3A_474, %dma_start3A_475, %dma_start3A_476, %dma_start3A_477] : memref<4x4x50x64xf32, #tpu.memory_space<vmem>> -> memref<1x1x50x64xf32, #tpu.memory_space<vmem>>
        %dma_start3A_479 = tpu.memref_squeeze %dma_start3A_478 : memref<1x1x50x64xf32, #tpu.memory_space<vmem>> -> memref<50x64xf32, #tpu.memory_space<vmem>>
        %dma_start3A_480 = arith.constant 0 : i32
        %dma_start3A_481 = tpu.memref_slice %arg5[%add3A_473, %dma_start3A_480] : memref<128x50xi32, #tpu.memory_space<vmem>> -> memref<1x50xi32, #tpu.memory_space<vmem>>
        %dma_start3A_482 = tpu.memref_squeeze %dma_start3A_481 : memref<1x50xi32, #tpu.memory_space<vmem>> -> memref<50xi32, #tpu.memory_space<vmem>>
        %dma_start3A_483 = arith.constant 0 : i32
        %dma_start3A_484 = arith.constant 0 : i32
        %dma_start3A_485 = tpu.memref_slice %arg3[%dma_start3A_483, %dma_start3A_484] : memref<1000000x64xf32, #tpu.memory_space<hbm>> -> memref<1000000x64xf32, #tpu.memory_space<hbm>>
        tpu.enqueue_indirect_dma source(%dma_start3A_485 : memref<1000000x64xf32, #tpu.memory_space<hbm>>) target(%dma_start3A_479 : memref<50x64xf32, #tpu.memory_space<vmem>>) offsets(%dma_start3A_482 : memref<50xi32, #tpu.memory_space<vmem>>) semaphore(%arg7 : memref<!tpu.dma_semaphore, #tpu.memory_space<semaphore_mem>>)
        %mul3A_486 = arith.constant 4 : i32
        %mul3A_487 = arith.muli %add3A_469, %mul3A_486 : i32
        %add3A_488 = arith.constant 1 : i32
        %add3A_489 = arith.addi %mul3A_487, %add3A_488 : i32
        %dma_start3A_490 = arith.constant 0 : i32
        %dma_start3A_491 = arith.constant 1 : i32
        %dma_start3A_492 = arith.constant 0 : i32
        %dma_start3A_493 = arith.constant 0 : i32
        %dma_start3A_494 = tpu.memref_slice %arg6[%dma_start3A_490, %dma_start3A_491, %dma_start3A_492, %dma_start3A_493] : memref<4x4x50x64xf32, #tpu.memory_space<vmem>> -> memref<1x1x50x64xf32, #tpu.memory_space<vmem>>
        %dma_start3A_495 = tpu.memref_squeeze %dma_start3A_494 : memref<1x1x50x64xf32, #tpu.memory_space<vmem>> -> memref<50x64xf32, #tpu.memory_space<vmem>>
        %dma_start3A_496 = arith.constant 0 : i32
        %dma_start3A_497 = tpu.memref_slice %arg5[%add3A_489, %dma_start3A_496] : memref<128x50xi32, #tpu.memory_space<vmem>> -> memref<1x50xi32, #tpu.memory_space<vmem>>
        %dma_start3A_498 = tpu.memref_squeeze %dma_start3A_497 : memref<1x50xi32, #tpu.memory_space<vmem>> -> memref<50xi32, #tpu.memory_space<vmem>>
        %dma_start3A_499 = arith.constant 0 : i32
        %dma_start3A_500 = arith.constant 0 : i32
        %dma_start3A_501 = tpu.memref_slice %arg3[%dma_start3A_499, %dma_start3A_500] : memref<1000000x64xf32, #tpu.memory_space<hbm>> -> memref<1000000x64xf32, #tpu.memory_space<hbm>>
        tpu.enqueue_indirect_dma source(%dma_start3A_501 : memref<1000000x64xf32, #tpu.memory_space<hbm>>) target(%dma_start3A_495 : memref<50x64xf32, #tpu.memory_space<vmem>>) offsets(%dma_start3A_498 : memref<50xi32, #tpu.memory_space<vmem>>) semaphore(%arg7 : memref<!tpu.dma_semaphore, #tpu.memory_space<semaphore_mem>>)
        %mul3A_502 = arith.constant 4 : i32
        %mul3A_503 = arith.muli %add3A_469, %mul3A_502 : i32
        %add3A_504 = arith.constant 2 : i32
        %add3A_505 = arith.addi %mul3A_503, %add3A_504 : i32
        %dma_start3A_506 = arith.constant 0 : i32
        %dma_start3A_507 = arith.constant 2 : i32
        %dma_start3A_508 = arith.constant 0 : i32
        %dma_start3A_509 = arith.constant 0 : i32
        %dma_start3A_510 = tpu.memref_slice %arg6[%dma_start3A_506, %dma_start3A_507, %dma_start3A_508, %dma_start3A_509] : memref<4x4x50x64xf32, #tpu.memory_space<vmem>> -> memref<1x1x50x64xf32, #tpu.memory_space<vmem>>
        %dma_start3A_511 = tpu.memref_squeeze %dma_start3A_510 : memref<1x1x50x64xf32, #tpu.memory_space<vmem>> -> memref<50x64xf32, #tpu.memory_space<vmem>>
        %dma_start3A_512 = arith.constant 0 : i32
        %dma_start3A_513 = tpu.memref_slice %arg5[%add3A_505, %dma_start3A_512] : memref<128x50xi32, #tpu.memory_space<vmem>> -> memref<1x50xi32, #tpu.memory_space<vmem>>
        %dma_start3A_514 = tpu.memref_squeeze %dma_start3A_513 : memref<1x50xi32, #tpu.memory_space<vmem>> -> memref<50xi32, #tpu.memory_space<vmem>>
        %dma_start3A_515 = arith.constant 0 : i32
        %dma_start3A_516 = arith.constant 0 : i32
        %dma_start3A_517 = tpu.memref_slice %arg3[%dma_start3A_515, %dma_start3A_516] : memref<1000000x64xf32, #tpu.memory_space<hbm>> -> memref<1000000x64xf32, #tpu.memory_space<hbm>>
        tpu.enqueue_indirect_dma source(%dma_start3A_517 : memref<1000000x64xf32, #tpu.memory_space<hbm>>) target(%dma_start3A_511 : memref<50x64xf32, #tpu.memory_space<vmem>>) offsets(%dma_start3A_514 : memref<50xi32, #tpu.memory_space<vmem>>) semaphore(%arg7 : memref<!tpu.dma_semaphore, #tpu.memory_space<semaphore_mem>>)
        %mul3A_518 = arith.constant 4 : i32
        %mul3A_519 = arith.muli %add3A_469, %mul3A_518 : i32
        %add3A_520 = arith.constant 3 : i32
        %add3A_521 = arith.addi %mul3A_519, %add3A_520 : i32
        %dma_start3A_522 = arith.constant 0 : i32
        %dma_start3A_523 = arith.constant 3 : i32
        %dma_start3A_524 = arith.constant 0 : i32
        %dma_start3A_525 = arith.constant 0 : i32
        %dma_start3A_526 = tpu.memref_slice %arg6[%dma_start3A_522, %dma_start3A_523, %dma_start3A_524, %dma_start3A_525] : memref<4x4x50x64xf32, #tpu.memory_space<vmem>> -> memref<1x1x50x64xf32, #tpu.memory_space<vmem>>
        %dma_start3A_527 = tpu.memref_squeeze %dma_start3A_526 : memref<1x1x50x64xf32, #tpu.memory_space<vmem>> -> memref<50x64xf32, #tpu.memory_space<vmem>>
        %dma_start3A_528 = arith.constant 0 : i32
        %dma_start3A_529 = tpu.memref_slice %arg5[%add3A_521, %dma_start3A_528] : memref<128x50xi32, #tpu.memory_space<vmem>> -> memref<1x50xi32, #tpu.memory_space<vmem>>
        %dma_start3A_530 = tpu.memref_squeeze %dma_start3A_529 : memref<1x50xi32, #tpu.memory_space<vmem>> -> memref<50xi32, #tpu.memory_space<vmem>>
        %dma_start3A_531 = arith.constant 0 : i32
        %dma_start3A_532 = arith.constant 0 : i32
        %dma_start3A_533 = tpu.memref_slice %arg3[%dma_start3A_531, %dma_start3A_532] : memref<1000000x64xf32, #tpu.memory_space<hbm>> -> memref<1000000x64xf32, #tpu.memory_space<hbm>>
        tpu.enqueue_indirect_dma source(%dma_start3A_533 : memref<1000000x64xf32, #tpu.memory_space<hbm>>) target(%dma_start3A_527 : memref<50x64xf32, #tpu.memory_space<vmem>>) offsets(%dma_start3A_530 : memref<50xi32, #tpu.memory_space<vmem>>) semaphore(%arg7 : memref<!tpu.dma_semaphore, #tpu.memory_space<semaphore_mem>>)
      } else {
      }
      %dma_wait3A_392 = arith.constant 0 : i32
      %dma_wait3A_393 = arith.constant 3 : i32
      %dma_wait3A_394 = arith.constant 0 : i32
      %dma_wait3A_395 = arith.constant 0 : i32
      %dma_wait3A_396 = arith.constant 0 : i32
      %dma_wait3A_397 = tpu.memref_slice %arg6[%dma_wait3A_393, %dma_wait3A_394, %dma_wait3A_395, %dma_wait3A_396] : memref<4x4x50x64xf32, #tpu.memory_space<vmem>> -> memref<1x1x50x64xf32, #tpu.memory_space<vmem>>
      %dma_wait3A_398 = tpu.memref_squeeze %dma_wait3A_397 : memref<1x1x50x64xf32, #tpu.memory_space<vmem>> -> memref<50x64xf32, #tpu.memory_space<vmem>>
      %dma_wait3A_399 = arith.constant 0 : i32
      %dma_wait3A_400 = tpu.memref_slice %arg5[%dma_wait3A_392, %dma_wait3A_399] : memref<128x50xi32, #tpu.memory_space<vmem>> -> memref<1x50xi32, #tpu.memory_space<vmem>>
      %dma_wait3A_401 = tpu.memref_squeeze %dma_wait3A_400 : memref<1x50xi32, #tpu.memory_space<vmem>> -> memref<50xi32, #tpu.memory_space<vmem>>
      %dma_wait3A_402 = arith.constant 0 : i32
      %dma_wait3A_403 = arith.constant 0 : i32
      %dma_wait3A_404 = tpu.memref_slice %arg3[%dma_wait3A_402, %dma_wait3A_403] : memref<1000000x64xf32, #tpu.memory_space<hbm>> -> memref<1000000x64xf32, #tpu.memory_space<hbm>>
      tpu.wait_indirect_dma semaphore(%arg7 : memref<!tpu.dma_semaphore, #tpu.memory_space<semaphore_mem>>) src(%dma_wait3A_404 : memref<1000000x64xf32, #tpu.memory_space<hbm>>) dst(%dma_wait3A_398 : memref<50x64xf32, #tpu.memory_space<vmem>>)
      %dma_wait3A_405 = arith.constant 0 : i32
      %dma_wait3A_406 = arith.constant 3 : i32
      %dma_wait3A_407 = arith.constant 1 : i32
      %dma_wait3A_408 = arith.constant 0 : i32
      %dma_wait3A_409 = arith.constant 0 : i32
      %dma_wait3A_410 = tpu.memref_slice %arg6[%dma_wait3A_406, %dma_wait3A_407, %dma_wait3A_408, %dma_wait3A_409] : memref<4x4x50x64xf32, #tpu.memory_space<vmem>> -> memref<1x1x50x64xf32, #tpu.memory_space<vmem>>
      %dma_wait3A_411 = tpu.memref_squeeze %dma_wait3A_410 : memref<1x1x50x64xf32, #tpu.memory_space<vmem>> -> memref<50x64xf32, #tpu.memory_space<vmem>>
      %dma_wait3A_412 = arith.constant 0 : i32
      %dma_wait3A_413 = tpu.memref_slice %arg5[%dma_wait3A_405, %dma_wait3A_412] : memref<128x50xi32, #tpu.memory_space<vmem>> -> memref<1x50xi32, #tpu.memory_space<vmem>>
      %dma_wait3A_414 = tpu.memref_squeeze %dma_wait3A_413 : memref<1x50xi32, #tpu.memory_space<vmem>> -> memref<50xi32, #tpu.memory_space<vmem>>
      %dma_wait3A_415 = arith.constant 0 : i32
      %dma_wait3A_416 = arith.constant 0 : i32
      %dma_wait3A_417 = tpu.memref_slice %arg3[%dma_wait3A_415, %dma_wait3A_416] : memref<1000000x64xf32, #tpu.memory_space<hbm>> -> memref<1000000x64xf32, #tpu.memory_space<hbm>>
      tpu.wait_indirect_dma semaphore(%arg7 : memref<!tpu.dma_semaphore, #tpu.memory_space<semaphore_mem>>) src(%dma_wait3A_417 : memref<1000000x64xf32, #tpu.memory_space<hbm>>) dst(%dma_wait3A_411 : memref<50x64xf32, #tpu.memory_space<vmem>>)
      %dma_wait3A_418 = arith.constant 0 : i32
      %dma_wait3A_419 = arith.constant 3 : i32
      %dma_wait3A_420 = arith.constant 2 : i32
      %dma_wait3A_421 = arith.constant 0 : i32
      %dma_wait3A_422 = arith.constant 0 : i32
      %dma_wait3A_423 = tpu.memref_slice %arg6[%dma_wait3A_419, %dma_wait3A_420, %dma_wait3A_421, %dma_wait3A_422] : memref<4x4x50x64xf32, #tpu.memory_space<vmem>> -> memref<1x1x50x64xf32, #tpu.memory_space<vmem>>
      %dma_wait3A_424 = tpu.memref_squeeze %dma_wait3A_423 : memref<1x1x50x64xf32, #tpu.memory_space<vmem>> -> memref<50x64xf32, #tpu.memory_space<vmem>>
      %dma_wait3A_425 = arith.constant 0 : i32
      %dma_wait3A_426 = tpu.memref_slice %arg5[%dma_wait3A_418, %dma_wait3A_425] : memref<128x50xi32, #tpu.memory_space<vmem>> -> memref<1x50xi32, #tpu.memory_space<vmem>>
      %dma_wait3A_427 = tpu.memref_squeeze %dma_wait3A_426 : memref<1x50xi32, #tpu.memory_space<vmem>> -> memref<50xi32, #tpu.memory_space<vmem>>
      %dma_wait3A_428 = arith.constant 0 : i32
      %dma_wait3A_429 = arith.constant 0 : i32
      %dma_wait3A_430 = tpu.memref_slice %arg3[%dma_wait3A_428, %dma_wait3A_429] : memref<1000000x64xf32, #tpu.memory_space<hbm>> -> memref<1000000x64xf32, #tpu.memory_space<hbm>>
      tpu.wait_indirect_dma semaphore(%arg7 : memref<!tpu.dma_semaphore, #tpu.memory_space<semaphore_mem>>) src(%dma_wait3A_430 : memref<1000000x64xf32, #tpu.memory_space<hbm>>) dst(%dma_wait3A_424 : memref<50x64xf32, #tpu.memory_space<vmem>>)
      %dma_wait3A_431 = arith.constant 0 : i32
      %dma_wait3A_432 = arith.constant 3 : i32
      %dma_wait3A_433 = arith.constant 3 : i32
      %dma_wait3A_434 = arith.constant 0 : i32
      %dma_wait3A_435 = arith.constant 0 : i32
      %dma_wait3A_436 = tpu.memref_slice %arg6[%dma_wait3A_432, %dma_wait3A_433, %dma_wait3A_434, %dma_wait3A_435] : memref<4x4x50x64xf32, #tpu.memory_space<vmem>> -> memref<1x1x50x64xf32, #tpu.memory_space<vmem>>
      %dma_wait3A_437 = tpu.memref_squeeze %dma_wait3A_436 : memref<1x1x50x64xf32, #tpu.memory_space<vmem>> -> memref<50x64xf32, #tpu.memory_space<vmem>>
      %dma_wait3A_438 = arith.constant 0 : i32
      %dma_wait3A_439 = tpu.memref_slice %arg5[%dma_wait3A_431, %dma_wait3A_438] : memref<128x50xi32, #tpu.memory_space<vmem>> -> memref<1x50xi32, #tpu.memory_space<vmem>>
      %dma_wait3A_440 = tpu.memref_squeeze %dma_wait3A_439 : memref<1x50xi32, #tpu.memory_space<vmem>> -> memref<50xi32, #tpu.memory_space<vmem>>
      %dma_wait3A_441 = arith.constant 0 : i32
      %dma_wait3A_442 = arith.constant 0 : i32
      %dma_wait3A_443 = tpu.memref_slice %arg3[%dma_wait3A_441, %dma_wait3A_442] : memref<1000000x64xf32, #tpu.memory_space<hbm>> -> memref<1000000x64xf32, #tpu.memory_space<hbm>>
      tpu.wait_indirect_dma semaphore(%arg7 : memref<!tpu.dma_semaphore, #tpu.memory_space<semaphore_mem>>) src(%dma_wait3A_443 : memref<1000000x64xf32, #tpu.memory_space<hbm>>) dst(%dma_wait3A_437 : memref<50x64xf32, #tpu.memory_space<vmem>>)
      %mul3A_444 = arith.constant 4 : i32
      %mul3A_445 = arith.muli %add3A_384, %mul3A_444 : i32
      %add3A_446 = arith.addi %mul3A_2, %mul3A_445 : i32
      %dma_start3A_447 = arith.constant 3 : i32
      %dma_start3A_448 = arith.constant 0 : i32
      %dma_start3A_449 = arith.constant 0 : i32
      %dma_start3A_450 = arith.constant 0 : i32
      %dma_start3A_451 = tpu.memref_slice %arg6[%dma_start3A_447, %dma_start3A_448, %dma_start3A_449, %dma_start3A_450] : memref<4x4x50x64xf32, #tpu.memory_space<vmem>> -> memref<1x4x50x64xf32, #tpu.memory_space<vmem>>
      %dma_start3A_452 = tpu.memref_squeeze %dma_start3A_451 : memref<1x4x50x64xf32, #tpu.memory_space<vmem>> -> memref<4x50x64xf32, #tpu.memory_space<vmem>>
      %dma_start3A_453 = arith.constant 0 : i32
      %dma_start3A_454 = arith.constant 0 : i32
      %dma_start3A_455 = tpu.memref_slice %arg4[%add3A_446, %dma_start3A_453, %dma_start3A_454] : memref<4096x50x64xf32, #tpu.memory_space<hbm>> -> memref<4x50x64xf32, #tpu.memory_space<hbm>>
      %dma_start3A_456 = arith.constant 0 : i32
      %dma_start3A_457 = arith.constant 0 : i32
      %dma_start3A_458 = tpu.memref_slice %arg4[%add3A_446, %dma_start3A_456, %dma_start3A_457] : memref<4096x50x64xf32, #tpu.memory_space<hbm>> -> memref<4x50x64xf32, #tpu.memory_space<hbm>>
      %dma_start3A_459 = arith.constant 0 : i32
      %dma_start3A_460 = arith.constant 0 : i32
      %dma_start3A_461 = arith.constant 0 : i32
      %dma_start3A_462 = tpu.memref_slice %arg6[%dma_start3A_447, %dma_start3A_459, %dma_start3A_460, %dma_start3A_461] : memref<4x4x50x64xf32, #tpu.memory_space<vmem>> -> memref<1x4x50x64xf32, #tpu.memory_space<vmem>>
      %dma_start3A_463 = tpu.memref_squeeze %dma_start3A_462 : memref<1x4x50x64xf32, #tpu.memory_space<vmem>> -> memref<4x50x64xf32, #tpu.memory_space<vmem>>
      tpu.enqueue_dma source(%dma_start3A_463 : memref<4x50x64xf32, #tpu.memory_space<vmem>>) target(%dma_start3A_458 : memref<4x50x64xf32, #tpu.memory_space<hbm>>) target_semaphore(%arg11 : memref<!tpu.dma_semaphore, #tpu.memory_space<semaphore_mem>>)
    }
    %scan3A_58 = arith.constant 8 : i32
    %dma_wait3A = arith.constant 0 : i32
    %dma_wait3A_59 = arith.constant 0 : i32
    %dma_wait3A_60 = arith.constant 0 : i32
    %dma_wait3A_61 = arith.constant 0 : i32
    %dma_wait3A_62 = tpu.memref_slice %arg6[%dma_wait3A, %dma_wait3A_59, %dma_wait3A_60, %dma_wait3A_61] : memref<4x4x50x64xf32, #tpu.memory_space<vmem>> -> memref<1x4x50x64xf32, #tpu.memory_space<vmem>>
    %dma_wait3A_63 = tpu.memref_squeeze %dma_wait3A_62 : memref<1x4x50x64xf32, #tpu.memory_space<vmem>> -> memref<4x50x64xf32, #tpu.memory_space<vmem>>
    %dma_wait3A_64 = arith.constant 0 : i32
    %dma_wait3A_65 = arith.constant 0 : i32
    %dma_wait3A_66 = arith.constant 0 : i32
    %dma_wait3A_67 = tpu.memref_slice %arg4[%dma_wait3A_64, %dma_wait3A_65, %dma_wait3A_66] : memref<4096x50x64xf32, #tpu.memory_space<hbm>> -> memref<4x50x64xf32, #tpu.memory_space<hbm>>
    %dma_wait3A_68 = arith.constant 0 : i32
    %dma_wait3A_69 = arith.constant 0 : i32
    %dma_wait3A_70 = arith.constant 0 : i32
    %dma_wait3A_71 = tpu.memref_slice %arg4[%dma_wait3A_68, %dma_wait3A_69, %dma_wait3A_70] : memref<4096x50x64xf32, #tpu.memory_space<hbm>> -> memref<4x50x64xf32, #tpu.memory_space<hbm>>
    %dma_wait3A_72 = arith.constant 0 : i32
    %dma_wait3A_73 = arith.constant 0 : i32
    %dma_wait3A_74 = arith.constant 0 : i32
    %dma_wait3A_75 = tpu.memref_slice %arg6[%dma_wait3A, %dma_wait3A_72, %dma_wait3A_73, %dma_wait3A_74] : memref<4x4x50x64xf32, #tpu.memory_space<vmem>> -> memref<1x4x50x64xf32, #tpu.memory_space<vmem>>
    %dma_wait3A_76 = tpu.memref_squeeze %dma_wait3A_75 : memref<1x4x50x64xf32, #tpu.memory_space<vmem>> -> memref<4x50x64xf32, #tpu.memory_space<vmem>>
    tpu.wait_dma2 semaphore(%arg8 : memref<!tpu.dma_semaphore, #tpu.memory_space<semaphore_mem>>) src(%dma_wait3A_76 : memref<4x50x64xf32, #tpu.memory_space<vmem>>) dst(%dma_wait3A_71 : memref<4x50x64xf32, #tpu.memory_space<hbm>>)
    %dma_wait3A_77 = arith.constant 1 : i32
    %dma_wait3A_78 = arith.constant 0 : i32
    %dma_wait3A_79 = arith.constant 0 : i32
    %dma_wait3A_80 = arith.constant 0 : i32
    %dma_wait3A_81 = tpu.memref_slice %arg6[%dma_wait3A_77, %dma_wait3A_78, %dma_wait3A_79, %dma_wait3A_80] : memref<4x4x50x64xf32, #tpu.memory_space<vmem>> -> memref<1x4x50x64xf32, #tpu.memory_space<vmem>>
    %dma_wait3A_82 = tpu.memref_squeeze %dma_wait3A_81 : memref<1x4x50x64xf32, #tpu.memory_space<vmem>> -> memref<4x50x64xf32, #tpu.memory_space<vmem>>
    %dma_wait3A_83 = arith.constant 0 : i32
    %dma_wait3A_84 = arith.constant 0 : i32
    %dma_wait3A_85 = arith.constant 0 : i32
    %dma_wait3A_86 = tpu.memref_slice %arg4[%dma_wait3A_83, %dma_wait3A_84, %dma_wait3A_85] : memref<4096x50x64xf32, #tpu.memory_space<hbm>> -> memref<4x50x64xf32, #tpu.memory_space<hbm>>
    %dma_wait3A_87 = arith.constant 0 : i32
    %dma_wait3A_88 = arith.constant 0 : i32
    %dma_wait3A_89 = arith.constant 0 : i32
    %dma_wait3A_90 = tpu.memref_slice %arg4[%dma_wait3A_87, %dma_wait3A_88, %dma_wait3A_89] : memref<4096x50x64xf32, #tpu.memory_space<hbm>> -> memref<4x50x64xf32, #tpu.memory_space<hbm>>
    %dma_wait3A_91 = arith.constant 0 : i32
    %dma_wait3A_92 = arith.constant 0 : i32
    %dma_wait3A_93 = arith.constant 0 : i32
    %dma_wait3A_94 = tpu.memref_slice %arg6[%dma_wait3A_77, %dma_wait3A_91, %dma_wait3A_92, %dma_wait3A_93] : memref<4x4x50x64xf32, #tpu.memory_space<vmem>> -> memref<1x4x50x64xf32, #tpu.memory_space<vmem>>
    %dma_wait3A_95 = tpu.memref_squeeze %dma_wait3A_94 : memref<1x4x50x64xf32, #tpu.memory_space<vmem>> -> memref<4x50x64xf32, #tpu.memory_space<vmem>>
    tpu.wait_dma2 semaphore(%arg9 : memref<!tpu.dma_semaphore, #tpu.memory_space<semaphore_mem>>) src(%dma_wait3A_95 : memref<4x50x64xf32, #tpu.memory_space<vmem>>) dst(%dma_wait3A_90 : memref<4x50x64xf32, #tpu.memory_space<hbm>>)
    %dma_wait3A_96 = arith.constant 2 : i32
    %dma_wait3A_97 = arith.constant 0 : i32
    %dma_wait3A_98 = arith.constant 0 : i32
    %dma_wait3A_99 = arith.constant 0 : i32
    %dma_wait3A_100 = tpu.memref_slice %arg6[%dma_wait3A_96, %dma_wait3A_97, %dma_wait3A_98, %dma_wait3A_99] : memref<4x4x50x64xf32, #tpu.memory_space<vmem>> -> memref<1x4x50x64xf32, #tpu.memory_space<vmem>>
    %dma_wait3A_101 = tpu.memref_squeeze %dma_wait3A_100 : memref<1x4x50x64xf32, #tpu.memory_space<vmem>> -> memref<4x50x64xf32, #tpu.memory_space<vmem>>
    %dma_wait3A_102 = arith.constant 0 : i32
    %dma_wait3A_103 = arith.constant 0 : i32
    %dma_wait3A_104 = arith.constant 0 : i32
    %dma_wait3A_105 = tpu.memref_slice %arg4[%dma_wait3A_102, %dma_wait3A_103, %dma_wait3A_104] : memref<4096x50x64xf32, #tpu.memory_space<hbm>> -> memref<4x50x64xf32, #tpu.memory_space<hbm>>
    %dma_wait3A_106 = arith.constant 0 : i32
    %dma_wait3A_107 = arith.constant 0 : i32
    %dma_wait3A_108 = arith.constant 0 : i32
    %dma_wait3A_109 = tpu.memref_slice %arg4[%dma_wait3A_106, %dma_wait3A_107, %dma_wait3A_108] : memref<4096x50x64xf32, #tpu.memory_space<hbm>> -> memref<4x50x64xf32, #tpu.memory_space<hbm>>
    %dma_wait3A_110 = arith.constant 0 : i32
    %dma_wait3A_111 = arith.constant 0 : i32
    %dma_wait3A_112 = arith.constant 0 : i32
    %dma_wait3A_113 = tpu.memref_slice %arg6[%dma_wait3A_96, %dma_wait3A_110, %dma_wait3A_111, %dma_wait3A_112] : memref<4x4x50x64xf32, #tpu.memory_space<vmem>> -> memref<1x4x50x64xf32, #tpu.memory_space<vmem>>
    %dma_wait3A_114 = tpu.memref_squeeze %dma_wait3A_113 : memref<1x4x50x64xf32, #tpu.memory_space<vmem>> -> memref<4x50x64xf32, #tpu.memory_space<vmem>>
    tpu.wait_dma2 semaphore(%arg10 : memref<!tpu.dma_semaphore, #tpu.memory_space<semaphore_mem>>) src(%dma_wait3A_114 : memref<4x50x64xf32, #tpu.memory_space<vmem>>) dst(%dma_wait3A_109 : memref<4x50x64xf32, #tpu.memory_space<hbm>>)
    %dma_wait3A_115 = arith.constant 3 : i32
    %dma_wait3A_116 = arith.constant 0 : i32
    %dma_wait3A_117 = arith.constant 0 : i32
    %dma_wait3A_118 = arith.constant 0 : i32
    %dma_wait3A_119 = tpu.memref_slice %arg6[%dma_wait3A_115, %dma_wait3A_116, %dma_wait3A_117, %dma_wait3A_118] : memref<4x4x50x64xf32, #tpu.memory_space<vmem>> -> memref<1x4x50x64xf32, #tpu.memory_space<vmem>>
    %dma_wait3A_120 = tpu.memref_squeeze %dma_wait3A_119 : memref<1x4x50x64xf32, #tpu.memory_space<vmem>> -> memref<4x50x64xf32, #tpu.memory_space<vmem>>
    %dma_wait3A_121 = arith.constant 0 : i32
    %dma_wait3A_122 = arith.constant 0 : i32
    %dma_wait3A_123 = arith.constant 0 : i32
    %dma_wait3A_124 = tpu.memref_slice %arg4[%dma_wait3A_121, %dma_wait3A_122, %dma_wait3A_123] : memref<4096x50x64xf32, #tpu.memory_space<hbm>> -> memref<4x50x64xf32, #tpu.memory_space<hbm>>
    %dma_wait3A_125 = arith.constant 0 : i32
    %dma_wait3A_126 = arith.constant 0 : i32
    %dma_wait3A_127 = arith.constant 0 : i32
    %dma_wait3A_128 = tpu.memref_slice %arg4[%dma_wait3A_125, %dma_wait3A_126, %dma_wait3A_127] : memref<4096x50x64xf32, #tpu.memory_space<hbm>> -> memref<4x50x64xf32, #tpu.memory_space<hbm>>
    %dma_wait3A_129 = arith.constant 0 : i32
    %dma_wait3A_130 = arith.constant 0 : i32
    %dma_wait3A_131 = arith.constant 0 : i32
    %dma_wait3A_132 = tpu.memref_slice %arg6[%dma_wait3A_115, %dma_wait3A_129, %dma_wait3A_130, %dma_wait3A_131] : memref<4x4x50x64xf32, #tpu.memory_space<vmem>> -> memref<1x4x50x64xf32, #tpu.memory_space<vmem>>
    %dma_wait3A_133 = tpu.memref_squeeze %dma_wait3A_132 : memref<1x4x50x64xf32, #tpu.memory_space<vmem>> -> memref<4x50x64xf32, #tpu.memory_space<vmem>>
    tpu.wait_dma2 semaphore(%arg11 : memref<!tpu.dma_semaphore, #tpu.memory_space<semaphore_mem>>) src(%dma_wait3A_133 : memref<4x50x64xf32, #tpu.memory_space<vmem>>) dst(%dma_wait3A_128 : memref<4x50x64xf32, #tpu.memory_space<hbm>>)
    return
  }
}

</mosaic_0001>

<sc_bundles>
// kernel: _gather_rows.3.cloned.1.call-start
scs
__scs_entry_jumppad:
0x0: {  	(pc) =	sbr.rel $0x88, $3  }
0x1: {  	(tag) =	ssettag $0x0;
	lr =	simm.s32 $0x1  }
0x2: {  	[smem:$0x3F9F] =	sst lr;
	_ =	strace $0xD0000000  }
0x3: {  	_ = 	snop  }
0x4: {  	_ = 	snop  }
0x5: {  	_ = 	snop  }
0x6: {  	_ = 	snop  }
0x7: {  	_ = 	snop  }
__scs_overlays_trampoline_lowered:
0x8: {  	[smem:$0x3FAE] =	sst s0  }
0x9: {  	[smem:$0x3FAF] =	sst s1  }
0xa: {  	[smem:$0x3FB0] =	sst s2  }
0xb: {  	[smem:$0x3FB1] =	sst s3  }
0xc: {  	[smem:$0x3FB2] =	sst s4  }
0xd: {  	[smem:$0x3FB3] =	sst s5  }
0xe: {  	[smem:$0x3FB4] =	sst s6  }
0xf: {  	[smem:$0x3FB5] =	sst s7  }
0x10: {  	[smem:$0x3FB6] =	sst s8  }
0x11: {  	[smem:$0x3FB7] =	sst s9;
	s0 =	simm.s32 @!p0 $0x0  }
0x12: {  	s1 =	sld [smem:$0x3F9D];
	s0 =	simm.s32 @p0 $0x1  }
0x13: {  	[smem:$0x3FB8] =	sst s0;
	s0 =	simm.s32 @!p1 $0x0  }
0x14: {  	s2 =	sld [smem:$0x3F9C];
	s0 =	simm.s32 @p1 $0x1  }
0x15: {  	[smem:$0x3FB9] =	sst s0;
	s0 =	simm.s32 @!p2 $0x0  }
0x16: {  	s3 =	sld [smem:$0x3FDB];
	s0 =	simm.s32 @p2 $0x1  }
0x17: {  	s4 =	simm.s32 $0x1BF5;
	[smem:$0x3FBB] =	sst s0  }
0x18: {  	s0 =	sld [smem:$0x3F9E];
	_ =	swait.ge [sflag:s4], $0x0  }
0x19: {  	s7 =	sld [smem:$0x3F9F]  }
0x1a: {  	s8 =	sadd.s32 $0xFFFFE003, lr  }
0x1b: {  	s9 =	sadd.s32 $0xFFFFFEF7, lr;
	s5 =	simm.s32 $0xFFFFFFFF;
	p2 =	slt.u32 s8, $0xFFFFF086  }
0x1c: {  	p1 =	slt.u32 s9, $0xF7A;
	s5 =	simm.s32 @!p2 $0x0  }
0x1d: {  	s5 =	simm.s32 @p1 $0x1;
	p0 =	seq.s32 s7, s2  }
0x1e: {  	s7 =	smul.u32 @!p0 $0xF7A, s2;
	p2 =	seq.s32 @!p0 s5, $0x0  }
0x1f: {  	s9 =	smul.u32 $0xF7A, s1;
	s8 =	simm.s32 @!p0 $0x1BF5;
	p2 =	por !p2, p0  }
0x20: {  	[sflag:s8] =	ssyncset.s32 @!p0 $0xFFFFF086;
	s6 =	sadd.s32 @!p0 s3, s7;
	s7 =	simm.s32 @!p0 $0x108  }
0x21: {  	s3 =	sadd.s32 s3, s9;
	s6 =	sadd.s32 @!p0 $0x88, s6;
	s7 =	simm.s32 @p2 $0x1082  }
0x22: {  	[simem:s7], [sflag:s8] =	dma.local @!p0 [hbm:s6], $0xF7A  }
0x23: {  	s9 =	sor.u32 $0xD0000000, s2;
	s6 =	simm.s32 $0x108;
	_ =	swait.ge @!p0 [sflag:s8], $0x0  }
0x24: {  	s3 =	sadd.s32 $0x88, s3;
	s6 =	simm.s32 @!p1 $0x1082;
	[sflag:s4] =	ssyncset.s32 $0xFFFFF086  }
0x25: {  	[simem:s6], [sflag:s4] =	dma.local [hbm:s3], $0xF7A  }
0x26: {  	[smem:$0x3F9F] =	sst s1;
	(tag) =	ssettag s2;
	_ =	strace s9  }
0x27: {  	s1 =	sld [smem:$0x3FAF]  }
0x28: {  	s2 =	sld [smem:$0x3FB0]  }
0x29: {  	s4 =	sld [smem:$0x3FB2]  }
0x2a: {  	p0 =	seq.s32 s5, $0x0;
	s5 =	sld [smem:$0x3FB3]  }
0x2b: {  	s6 =	sld [smem:$0x3FB4]  }
0x2c: {  	s7 =	sld [smem:$0x3FB5]  }
0x2d: {  	s3 =	simm.s32 $0x108;
	s8 =	sld [smem:$0x3FB6]  }
0x2e: {  	s3 =	simm.s32 @!p0 $0x1082;
	s9 =	sld [smem:$0x3FB7]  }
0x2f: {  	lr =	sadd.s32 s0, s3;
	s0 =	sld [smem:$0x3FAE]  }
0x30: {  	s3 =	sld [smem:$0x3FB1]  }
0x31: {  	[smem:$0x3FBA] =	sst s10  }
0x32: {  	s10 =	sld [smem:$0x3FB8];
	_ =	sdelay $0x3  }
0x33: {  	p0 =	seq.s32 s10, $0x1;
	s10 =	sld [smem:$0x3FBA];
	_ =	sdelay $0x3  }
0x34: {  	[smem:$0x3FBA] =	sst s10  }
0x35: {  	s10 =	sld [smem:$0x3FB9];
	_ =	sdelay $0x3  }
0x36: {  	p1 =	seq.s32 s10, $0x1;
	s10 =	sld [smem:$0x3FBA];
	_ =	sdelay $0x3  }
0x37: {  	[smem:$0x3FBA] =	sst s10  }
0x38: {  	s10 =	sld [smem:$0x3FBB]  }
0x39: {  	_ = 	snop;
	(pc) =	sbr.ind lr, $3  }
0x3a: {  	_ = 	snop  }
0x3b: {  	_ = 	snop  }
0x3c: {  	p2 =	seq.s32 s10, $0x1;
	s10 =	sld [smem:$0x3FBA]  }
0x3d: {  	_ =	shalt  }
0x3e: {  	_ =	shalt  }
0x3f: {  	_ =	shalt  }
0x40: {  	_ =	shalt  }
0x41: {  	_ =	shalt  }
0x42: {  	_ =	shalt  }
0x43: {  	_ =	shalt  }
0x44: {  	_ =	shalt  }
0x45: {  	_ =	shalt  }
0x46: {  	_ =	shalt  }
0x47: {  	_ =	shalt  }
0x48: {  	_ =	shalt  }
0x49: {  	_ =	shalt  }
0x4a: {  	_ =	shalt  }
0x4b: {  	_ =	shalt  }
0x4c: {  	_ =	shalt  }
0x4d: {  	_ =	shalt  }
0x4e: {  	_ =	shalt  }
0x4f: {  	_ =	shalt  }
0x50: {  	_ =	shalt  }
0x51: {  	_ =	shalt  }
0x52: {  	_ =	shalt  }
0x53: {  	_ =	shalt  }
0x54: {  	_ =	shalt  }
0x55: {  	_ =	shalt  }
0x56: {  	_ =	shalt  }
0x57: {  	_ =	shalt  }
0x58: {  	_ =	shalt  }
0x59: {  	_ =	shalt  }
0x5a: {  	_ =	shalt  }
0x5b: {  	_ =	shalt  }
0x5c: {  	_ =	shalt  }
0x5d: {  	_ =	shalt  }
0x5e: {  	_ =	shalt  }
0x5f: {  	_ =	shalt  }
0x60: {  	_ =	shalt  }
0x61: {  	_ =	shalt  }
0x62: {  	_ =	shalt  }
0x63: {  	_ =	shalt  }
0x64: {  	_ =	shalt  }
0x65: {  	_ =	shalt  }
0x66: {  	_ =	shalt  }
0x67: {  	_ =	shalt  }
0x68: {  	_ =	shalt  }
0x69: {  	_ =	shalt  }
0x6a: {  	_ =	shalt  }
0x6b: {  	_ =	shalt  }
0x6c: {  	_ =	shalt  }
0x6d: {  	_ =	shalt  }
0x6e: {  	_ =	shalt  }
0x6f: {  	_ =	shalt  }
0x70: {  	_ =	shalt  }
0x71: {  	_ =	shalt  }
0x72: {  	_ =	shalt  }
0x73: {  	_ =	shalt  }
0x74: {  	_ =	shalt  }
0x75: {  	_ =	shalt  }
0x76: {  	_ =	shalt  }
0x77: {  	_ =	shalt  }
0x78: {  	_ =	shalt  }
0x79: {  	_ =	shalt  }
0x7a: {  	_ =	shalt  }
0x7b: {  	_ =	shalt  }
0x7c: {  	_ =	shalt  }
0x7d: {  	_ =	shalt  }
0x7e: {  	_ =	shalt  }
0x7f: {  	_ =	shalt  }
0x80: {  	_ =	shalt  }
0x81: {  	_ =	shalt  }
0x82: {  	_ =	shalt  }
0x83: {  	_ =	shalt  }
0x84: {  	_ =	shalt  }
0x85: {  	_ =	shalt  }
0x86: {  	_ =	shalt  }
0x87: {  	_ =	shalt  }
.Lfunc_end0:
.L_simem_size_0:
called_computation.1_lowered:
.L_overlay_start_0:
0x88: {  	s2 =	sld [smem:$0x3FD9]  }
0x89: {  	s3 =	sld [smem:$0x3FFE];
	_ =	sdelay $0x1  }
0x8a: {  	s1 =	srdreg.scid  }
0x8b: {  	s0 =	sand.u32 $0x1, s1  }
0x8c: {  	s17 =	sshll.u32 s0, $0xA;
	s2 =	sadd.s32 s3, s2  }
0x8d: {  	s2 =	sadd.s32 s2, s17  }
0x8e: {  	[smem:$0x3FC6] =	sst s2  }
0x8f: {  	_ = 	snop  }
0x90: {  	s2 =	sld [smem:$0x3FD0];
	(tm) =	ssettm $0x1  }
0x91: {  	s18 =	sld [smem:$0x3FFB];
	_ =	sdelay $0x3  }
0x92: {  	_ =	strace s18  }
0x93: {  	s3 =	sld [smem:$0x3FFC];
	_ =	sdelay $0x3  }
0x94: {  	_ =	strace s3  }
0x95: {  	s3 =	sld [smem:$0x3FFD];
	_ =	sdelay $0x3  }
0x96: {  	_ =	strace s3  }
0x97: {  	_ =	strace $0x8FFFFFFF  }
0x98: {  	s19 =	sld [smem:$0x3FDB];
	_ =	sdelay $0x1  }
0x99: {  	s4 =	simm.s32 $_scs_section_size  }
0x9a: {  	s5 =	simm.s32 $_size__tile_overlayer_lowered;
	s6 =	simm.s32 $_tile_overlayer_lowered  }
0x9b: {  	s22 =	simm.s32 $0x1BFF;
	s21 =	sshll.u32 s6, $0x1;
	s3 =	sadd.s32 s4, s19  }
0x9c: {  	s7 =	simm.s32 $0x0;
	s20 =	sshll.u32 s5, $0x1;
	s5 =	sadd.s32 s21, s3  }
0x9d: {  	[timem:s7], [sflag:s22] =	dma.local [hbm:s5], s20  }
0x9e: {  	_ =	swait.ge [sflag:s22], s20  }
0x9f: {  	s4 =	ssub.s32 $0x0, s20;
	[sflag:s22] =	ssyncset.done $0x0  }
0xa0: {  	[sflag:s22] =	ssyncadd.s32 s4;
	_ =	sdelay $0x1  }
0xa1: {  	s23 =	simm.s32 $0x1B8B  }
0xa2: {  	_ =	swait.ge [sflag:s23], $0x1  }
0xa3: {  	[sflag:s23] =	ssyncset.done $0x0  }
0xa4: {  	s25 =	simm.s32 $0x1B8E;
	s24 =	sld [smem:$0x3FFE];
	[sflag:s23] =	ssyncadd.s32 $0xFFFFFFFF  }
0xa5: {  	s26 =	simm.s32 $execute0_lowered;
	[smem:$0x3FD2] =	sst s25  }
0xa6: {  	s5 =	sshll.u32 s26, $0x1;
	_ =	strace $0x80000046;
	[dreg:$0x1] =	wrdreg $0xFFFFFFFF  }
0xa7: {  	s28 =	simm.s32 $_size_execute0_lowered;
	s3 =	sadd.s32 s3, s5;
	[dreg:$0x0] =	wrdreg $0x0  }
0xa8: {  	s5 =	sshll.u32 s28, $0x1;
	[dreg:$0x2] =	wrdreg s3  }
0xa9: {  	[dreg:$0x3] =	wrdreg s5  }
0xaa: {  	[dreg:$0x4] =	wrdreg $0xC0  }
0xab: {  	_ =	task [dreg:s7], $0x5FFFF  }
0xac: {  	[dreg:$0x1] =	wrdreg $0xFFFFFFFF  }
0xad: {  	[dreg:$0x0] =	wrdreg $0x60  }
0xae: {  	[dreg:$0x2] =	wrdreg s24  }
0xaf: {  	[dreg:$0x3] =	wrdreg s2  }
0xb0: {  	[dreg:$0x4] =	wrdreg $0x9  }
0xb1: {  	_ =	task.clear_ibuf [dreg:s7], $0x5FFFF;
	_ =	strace $0x90000046  }
0xb2: {  	s29 =	simm.s32 $0x9;
	_ =	strace $0x80000048  }
0xb3: {  	_ =	swait.ge [sflag:s29], $0x1  }
0xb4: {  	[sflag:s29] =	ssyncadd.s32 $0xFFFFFFFF  }
0xb5: {  	_ =	strace $0x90000048  }
0xb6: {  	_ =	sfence  }
0xb7: {  	s30 =	sld [smem:$0x0];
	_ =	sdelay $0x2  }
0xb8: {  	s31 =	sshll.u32 s1, $0xD;
	s1 =	sshrl.u32 s1, $0x2  }
0xb9: {  	s3 =	sand.u32 $0x4000, s31;
	s1 =	sadd.s32 s1, s30  }
0xba: {  	s0 =	sor.u32 s3, s0;
	s1 =	sshll.u32 s1, $0x11  }
0xbb: {  	s0 =	sor.u32 s1, s0  }
0xbc: {  	s0 =	sadd.s32 $0x8F2B, s0  }
0xbd: {  	[sflag:s0] =	ssyncadd.remote.s32 $0x1  }
0xbe: {  	_ =	sfence.sel $0xFFFF  }
0xbf: {  	[dreg:$0x0] =	wrdreg $0xFFFFFFFF;
	(pc) =	sbr.abs _section_cstart, $3  }
0xc0: {  	[dreg:$0x1] =	wrdreg $0xFFFFFFFF  }
0xc1: {  	_ =	task.clear_ibuf [dreg:s7], $0x2FFFF;
	_ =	strace $0x9FFFFFFF  }
0xc2: {  	(tm) =	ssettm $0x7FFFFFFF  }
0xc3: {  	_ =	shalt  }
tec
execute0_lowered:
.L_overlay_start_1:
0x0: {  	(tag) =	ssettag $0x1  }
0x1: {  	s0 =	srdreg.scid  }
0x2: {  	s1 =	rddreg [dreg:$0x0];
	s6 =	stileid.u32  }
0x3: {  	s4 =	rddreg [dreg:$0x1];
	s2 =	simm.s32 $0x0;
	s9 =	simm.s32 $0x1C00  }
0x4: {  	s22 =	simm.s32 $0x5A80;
	s23 =	simm.s32 $0x6700;
	s24 =	simm.s32 $0x7380  }
0x5: {  	s25 =	simm.s32 $0x8C80;
	s15 =	simm.s32 $0x4180;
	[smem:$0x7FF] =	sst s2  }
0x6: {  	s26 =	simm.s32 $0x9900;
	_ =	strace $0x80000047;
	[dreg:$0x3] =	wrdreg s22  }
0x7: {  	s16 =	simm.s32 $0x4E00;
	s28 =	simm.s32 $0xA580;
	[dreg:$0x4] =	wrdreg s23  }
0x8: {  	s17 =	simm.s32 $0x1;
	s29 =	simm.s32 $0xBE80;
	[dreg:$0x5] =	wrdreg s24  }
0x9: {  	s18 =	simm.s32 $0x8000;
	s30 =	simm.s32 $0xCB00;
	[dreg:$0x6] =	wrdreg s25  }
0xa: {  	s19 =	simm.s32 $0xB200;
	s31 =	simm.s32 $0xD780;
	[dreg:$0x7] =	wrdreg s26  }
0xb: {  	s0 =	sand.u32 $0x1, s0;
	s3 =	sshll.u32 s6, $0x8;
	[dreg:$0x8] =	wrdreg s28  }
0xc: {  	s6 =	smul.u32 $0x19000, s6;
	s5 =	sshll.u32 s0, $0x7;
	[dreg:$0x9] =	wrdreg s29  }
0xd: {  	s20 =	ssub.s32 $0x2, s0;
	s0 =	smul.u32 $0xC800, s0;
	[dreg:$0xa] =	wrdreg s30  }
0xe: {  	[dreg:$0xb] =	wrdreg s31;
	s22 =	simm.s32 $0x4;
	s23 =	simm.s32 $0x5  }
0xf: {  	s24 =	simm.s32 $0x0;
	s3 =	sor.u32 s5, s3;
	s8 =	sshrl.u32 s20, $0x1  }
0x10: {  	s6 =	sadd.s32 s6, s4;
	s3 =	smul.u32 $0x7, s3;
	s21 =	ssub.s32 s20, s8  }
0x11: {  	s6 =	sadd.s32 s0, s6;
	s8 =	simm.s32 $0x32;
	s20 =	simm.s32 $0x2  }
0x12: {  	s5 =	smax.u32 s21, $0x1;
	s21 =	simm.s32 $0x3;
	s7 =	sadd.s32 s3, s1  }
0x13: {  	s3 =	sadd.s32 $0xF42E00, s1;
	s4 =	sadd.s32 $0xA00, s7;
	s7 =	simm.s32 $0x6  }
.LBB2_1:
0x14: {  	[tilespmem:s2], [sflag:$0x6] =	stream.linear.gather [hbm4b:s4+s2], $0x1C00, $0x38;
	[tilespmem:$0xE400] =	vst v63  }
0x15: {  	_ =	swait.ge [sflag:s7], $0x1C00  }
0x16: {  	[sflag:s7] =	ssyncset.done $0x0  }
0x17: {  	[sflag:s7] =	ssyncadd.s32 $0xFFFFE400  }
0x18: {  	[tilespmem:s9], [sflag:$0x1] =	stream.indirect.gather [hbm4b:s3+s8], $0x40, s2, s8, $0xb8;
	[tilespmem:$0xE400] =	vst v63  }
0x19: {  	s0 =	simm.s32 $0x38;
	s1 =	simm.s32 $0x2880  }
0x1a: {  	[tilespmem:s1], [sflag:$0x1] =	stream.indirect.gather [hbm4b:s3+s8], $0x40, s0, s8, $0xb8;
	[tilespmem:$0xE400] =	vst v63  }
0x1b: {  	s13 =	simm.s32 $0x70;
	s14 =	simm.s32 $0x3500;
	p0 =	por $0x1, $0x1  }
0x1c: {  	[tilespmem:s14], [sflag:$0x1] =	stream.indirect.gather [hbm4b:s3+s8], $0x40, s13, s8, $0xb8;
	[tilespmem:$0xE400] =	vst v63  }
0x1d: {  	s25 =	simm.s32 $0xA8;
	s0 =	simm.s32 @!p0 $0x3  }
0x1e: {  	[tilespmem:s15], [sflag:$0x1] =	stream.indirect.gather [hbm4b:s3+s8], $0x40, s25, s8, $0xb8;
	[tilespmem:$0xE400] =	vst v63  }
0x1f: {  	_ =	swait.ge @!p0 [sflag:s0], $0x3200  }
0x20: {  	[sflag:s0] =	ssyncset.done @!p0 $0x0  }
0x21: {  	s26 =	simm.s32 $0xE0;
	[sflag:s0] =	ssyncadd.s32 @!p0 $0xFFFFCE00  }
0x22: {  	[tilespmem:s16], [sflag:$0x1] =	stream.indirect.gather [hbm4b:s3+s8], $0x40, s26, s8, $0xb8;
	[tilespmem:$0xE400] =	vst v63  }
0x23: {  	s10 =	simm.s32 $0x118;
	s25 =	rddreg [dreg:$0x3]  }
0x24: {  	[tilespmem:s25], [sflag:$0x1] =	stream.indirect.gather [hbm4b:s3+s8], $0x40, s10, s8, $0xb8;
	[tilespmem:$0xE400] =	vst v63  }
0x25: {  	s12 =	simm.s32 $0x150;
	s11 =	rddreg [dreg:$0x4]  }
0x26: {  	[tilespmem:s11], [sflag:$0x1] =	stream.indirect.gather [hbm4b:s3+s8], $0x40, s12, s8, $0xb8;
	[tilespmem:$0xE400] =	vst v63  }
0x27: {  	s14 =	simm.s32 $0x188;
	s13 =	rddreg [dreg:$0x5]  }
0x28: {  	[tilespmem:s13], [sflag:$0x1] =	stream.indirect.gather [hbm4b:s3+s8], $0x40, s14, s8, $0xb8;
	[tilespmem:$0xE400] =	vst v63  }
0x29: {  	_ =	swait.ge [sflag:s17], $0xC80  }
0x2a: {  	[sflag:s17] =	ssyncset.done $0x0  }
0x2b: {  	[sflag:s17] =	ssyncadd.s32 $0xFFFFF380  }
0x2c: {  	_ =	swait.ge [sflag:s17], $0xC80  }
0x2d: {  	[sflag:s17] =	ssyncset.done $0x0  }
0x2e: {  	[sflag:s17] =	ssyncadd.s32 $0xFFFFF380  }
0x2f: {  	_ =	swait.ge [sflag:s17], $0xC80  }
0x30: {  	[sflag:s17] =	ssyncset.done $0x0  }
0x31: {  	[sflag:s17] =	ssyncadd.s32 $0xFFFFF380  }
0x32: {  	_ =	swait.ge [sflag:s17], $0xC80  }
0x33: {  	[sflag:s17] =	ssyncset.done $0x0  }
0x34: {  	s0 =	simm.s32 @!p0 $0x4;
	[sflag:s17] =	ssyncadd.s32 $0xFFFFF380  }
0x35: {  	[hbm4b:s6+s2] =	stream.linear.scatter [tilespmem:s9], [sflag:$0x2], $0x3200, $0x38;
	[tilespmem:$0xE400] =	vst v63  }
0x36: {  	_ =	swait.ge @!p0 [sflag:s0], $0x3200  }
0x37: {  	[sflag:s0] =	ssyncset.done @!p0 $0x0  }
0x38: {  	s25 =	simm.s32 $0x1C0;
	[sflag:s0] =	ssyncadd.s32 @!p0 $0xFFFFCE00  }
0x39: {  	[tilespmem:s18], [sflag:$0x1] =	stream.indirect.gather [hbm4b:s3+s8], $0x40, s25, s8, $0xb8;
	[tilespmem:$0xE400] =	vst v63  }
0x3a: {  	s1 =	simm.s32 $0x1F8;
	s26 =	rddreg [dreg:$0x6]  }
0x3b: {  	[tilespmem:s26], [sflag:$0x1] =	stream.indirect.gather [hbm4b:s3+s8], $0x40, s1, s8, $0xb8;
	[tilespmem:$0xE400] =	vst v63  }
0x3c: {  	s11 =	simm.s32 $0x230;
	s10 =	rddreg [dreg:$0x7]  }
0x3d: {  	[tilespmem:s10], [sflag:$0x1] =	stream.indirect.gather [hbm4b:s3+s8], $0x40, s11, s8, $0xb8;
	[tilespmem:$0xE400] =	vst v63  }
0x3e: {  	s13 =	simm.s32 $0x268;
	s12 =	rddreg [dreg:$0x8]  }
0x3f: {  	[tilespmem:s12], [sflag:$0x1] =	stream.indirect.gather [hbm4b:s3+s8], $0x40, s13, s8, $0xb8;
	[tilespmem:$0xE400] =	vst v63  }
0x40: {  	_ =	swait.ge [sflag:s17], $0xC80  }
0x41: {  	[sflag:s17] =	ssyncset.done $0x0  }
0x42: {  	[sflag:s17] =	ssyncadd.s32 $0xFFFFF380  }
0x43: {  	_ =	swait.ge [sflag:s17], $0xC80  }
0x44: {  	[sflag:s17] =	ssyncset.done $0x0  }
0x45: {  	[sflag:s17] =	ssyncadd.s32 $0xFFFFF380  }
0x46: {  	_ =	swait.ge [sflag:s17], $0xC80  }
0x47: {  	[sflag:s17] =	ssyncset.done $0x0  }
0x48: {  	[sflag:s17] =	ssyncadd.s32 $0xFFFFF380  }
0x49: {  	_ =	swait.ge [sflag:s17], $0xC80  }
0x4a: {  	[sflag:s17] =	ssyncset.done $0x0  }
0x4b: {  	s14 =	sadd.s32 $0x640, s6;
	s1 =	simm.s32 @!p0 $0x5;
	[sflag:s17] =	ssyncadd.s32 $0xFFFFF380  }
0x4c: {  	[hbm4b:s14+s2] =	stream.linear.scatter [tilespmem:s16], [sflag:$0x3], $0x3200, $0x38;
	[tilespmem:$0xE400] =	vst v63  }
0x4d: {  	_ =	swait.ge @!p0 [sflag:s1], $0x3200  }
0x4e: {  	[sflag:s1] =	ssyncset.done @!p0 $0x0  }
0x4f: {  	s25 =	simm.s32 $0x2A0;
	[sflag:s1] =	ssyncadd.s32 @!p0 $0xFFFFCE00  }
0x50: {  	[tilespmem:s19], [sflag:$0x1] =	stream.indirect.gather [hbm4b:s3+s8], $0x40, s25, s8, $0xb8;
	[tilespmem:$0xE400] =	vst v63  }
0x51: {  	s10 =	simm.s32 $0x2D8;
	s26 =	rddreg [dreg:$0x9]  }
0x52: {  	[tilespmem:s26], [sflag:$0x1] =	stream.indirect.gather [hbm4b:s3+s8], $0x40, s10, s8, $0xb8;
	[tilespmem:$0xE400] =	vst v63  }
0x53: {  	s12 =	simm.s32 $0x310;
	s11 =	rddreg [dreg:$0xa]  }
0x54: {  	[tilespmem:s11], [sflag:$0x1] =	stream.indirect.gather [hbm4b:s3+s8], $0x40, s12, s8, $0xb8;
	[tilespmem:$0xE400] =	vst v63  }
0x55: {  	s14 =	simm.s32 $0x348;
	s13 =	rddreg [dreg:$0xb]  }
0x56: {  	[tilespmem:s13], [sflag:$0x1] =	stream.indirect.gather [hbm4b:s3+s8], $0x40, s14, s8, $0xb8;
	[tilespmem:$0xE400] =	vst v63  }
0x57: {  	_ =	swait.ge [sflag:s17], $0xC80  }
0x58: {  	[sflag:s17] =	ssyncset.done $0x0  }
0x59: {  	[sflag:s17] =	ssyncadd.s32 $0xFFFFF380  }
0x5a: {  	_ =	swait.ge [sflag:s17], $0xC80  }
0x5b: {  	[sflag:s17] =	ssyncset.done $0x0  }
0x5c: {  	[sflag:s17] =	ssyncadd.s32 $0xFFFFF380  }
0x5d: {  	_ =	swait.ge [sflag:s17], $0xC80  }
0x5e: {  	[sflag:s17] =	ssyncset.done $0x0  }
0x5f: {  	[sflag:s17] =	ssyncadd.s32 $0xFFFFF380  }
0x60: {  	_ =	swait.ge [sflag:s17], $0xC80  }
0x61: {  	p0 =	por $0x0, $0x0;
	[sflag:s17] =	ssyncset.done $0x0  }
0x62: {  	s1 =	simm.s32 @!p0 $0x2;
	s26 =	sadd.s32 $0xC80, s6;
	[sflag:s17] =	ssyncadd.s32 $0xFFFFF380  }
0x63: {  	[hbm4b:s26+s2] =	stream.linear.scatter [tilespmem:s18], [sflag:$0x4], $0x3200, $0x38;
	[tilespmem:$0xE400] =	vst v63  }
0x64: {  	_ =	swait.ge @!p0 [sflag:s1], $0x3200  }
0x65: {  	s0 =	simm.s32 @!p0 $0x380;
	[sflag:s1] =	ssyncset.done @!p0 $0x0  }
0x66: {  	s25 =	simm.s32 @!p0 $0x32;
	s26 =	simm.s32 @!p0 $0x1C00;
	[sflag:s1] =	ssyncadd.s32 @!p0 $0xFFFFCE00  }
0x67: {  	[tilespmem:s26], [sflag:$0x1] =	stream.indirect.gather @!p0 [hbm4b:s3+s25], $0x40, s0, s25, $0xb8;
	[tilespmem:$0xE400] =	vst v63  }
0x68: {  	s1 =	simm.s32 @!p0 $0x2880;
	s0 =	simm.s32 @!p0 $0x3B8  }
0x69: {  	[tilespmem:s1], [sflag:$0x1] =	stream.indirect.gather @!p0 [hbm4b:s3+s25], $0x40, s0, s25, $0xb8;
	[tilespmem:$0xE400] =	vst v63  }
0x6a: {  	s0 =	simm.s32 @!p0 $0x3F0;
	s1 =	simm.s32 @!p0 $0x3500  }
0x6b: {  	[tilespmem:s1], [sflag:$0x1] =	stream.indirect.gather @!p0 [hbm4b:s3+s25], $0x40, s0, s25, $0xb8;
	[tilespmem:$0xE400] =	vst v63  }
0x6c: {  	s0 =	simm.s32 @!p0 $0x428;
	s1 =	simm.s32 @!p0 $0x4180  }
0x6d: {  	[tilespmem:s1], [sflag:$0x1] =	stream.indirect.gather @!p0 [hbm4b:s3+s25], $0x40, s0, s25, $0xb8;
	[tilespmem:$0xE400] =	vst v63  }
0x6e: {  	_ =	swait.ge [sflag:s17], $0xC80  }
0x6f: {  	[sflag:s17] =	ssyncset.done $0x0  }
0x70: {  	[sflag:s17] =	ssyncadd.s32 $0xFFFFF380  }
0x71: {  	_ =	swait.ge [sflag:s17], $0xC80  }
0x72: {  	[sflag:s17] =	ssyncset.done $0x0  }
0x73: {  	[sflag:s17] =	ssyncadd.s32 $0xFFFFF380  }
0x74: {  	s29 =	sadd.s32 $0x12C0, s6;
	_ =	swait.ge [sflag:s17], $0xC80  }
0x75: {  	s28 =	sadd.s32 $0x1900, s6;
	s30 =	simm.s32 $0x1C00;
	[sflag:s17] =	ssyncset.done $0x0  }
0x76: {  	p1 =	por $0x0, $0x0;
	s31 =	sadd.s32 $0x1900, s28;
	[sflag:s17] =	ssyncadd.s32 $0xFFFFF380  }
0x77: {  	s26 =	simm.s32 $0xE00;
	s25 =	sadd.s32 $0x12C0, s28;
	_ =	swait.ge [sflag:s17], $0xC80  }
.LBB2_2:
0x78: {  	[sflag:s17] =	ssyncset.done $0x0  }
0x79: {  	s10 =	simm.s32 @!p1 $0x3;
	[sflag:s17] =	ssyncadd.s32 $0xFFFFF380  }
0x7a: {  	[hbm4b:s29+s2] =	stream.linear.scatter [tilespmem:s19], [sflag:$0x5], $0x3200, $0x38;
	[tilespmem:$0xE400] =	vst v63  }
0x7b: {  	_ =	swait.ge @!p1 [sflag:s10], $0x3200  }
0x7c: {  	s11 =	sadd.s32 $0x12C0, s31;
	s0 =	sshra.s32 s26, $0x2;
	[sflag:s10] =	ssyncset.done @!p1 $0x0  }
0x7d: {  	s12 =	sadd.s32 $0xE0, s0;
	s29 =	smov.u32 s25;
	[sflag:s10] =	ssyncadd.s32 @!p1 $0xFFFFCE00  }
0x7e: {  	[tilespmem:s16], [sflag:$0x1] =	stream.indirect.gather [hbm4b:s3+s8], $0x40, s12, s8, $0xb8;
	[tilespmem:$0xE400] =	vst v63  }
0x7f: {  	s25 =	smov.u32 s11;
	s11 =	sadd.s32 $0x118, s0;
	s13 =	rddreg [dreg:$0x3]  }
0x80: {  	[tilespmem:s13], [sflag:$0x1] =	stream.indirect.gather [hbm4b:s3+s8], $0x40, s11, s8, $0xb8;
	[tilespmem:$0xE400] =	vst v63  }
0x81: {  	s12 =	rddreg [dreg:$0x4];
	s13 =	sadd.s32 $0x150, s0  }
0x82: {  	[tilespmem:s12], [sflag:$0x1] =	stream.indirect.gather [hbm4b:s3+s8], $0x40, s13, s8, $0xb8;
	[tilespmem:$0xE400] =	vst v63  }
0x83: {  	s14 =	rddreg [dreg:$0x5];
	s11 =	sadd.s32 $0x188, s0  }
0x84: {  	[tilespmem:s14], [sflag:$0x1] =	stream.indirect.gather [hbm4b:s3+s8], $0x40, s11, s8, $0xb8;
	[tilespmem:$0xE400] =	vst v63  }
0x85: {  	_ =	swait.ge [sflag:s17], $0xC80  }
0x86: {  	[sflag:s17] =	ssyncset.done $0x0  }
0x87: {  	[sflag:s17] =	ssyncadd.s32 $0xFFFFF380  }
0x88: {  	_ =	swait.ge [sflag:s17], $0xC80  }
0x89: {  	[sflag:s17] =	ssyncset.done $0x0  }
0x8a: {  	[sflag:s17] =	ssyncadd.s32 $0xFFFFF380  }
0x8b: {  	_ =	swait.ge [sflag:s17], $0xC80  }
0x8c: {  	[sflag:s17] =	ssyncset.done $0x0  }
0x8d: {  	[sflag:s17] =	ssyncadd.s32 $0xFFFFF380  }
0x8e: {  	_ =	swait.ge [sflag:s17], $0xC80  }
0x8f: {  	[sflag:s17] =	ssyncset.done $0x0  }
0x90: {  	s10 =	simm.s32 @!p1 $0x4;
	[sflag:s17] =	ssyncadd.s32 $0xFFFFF380  }
0x91: {  	[hbm4b:s28+s2] =	stream.linear.scatter [tilespmem:s9], [sflag:$0x2], $0x3200, $0x38;
	[tilespmem:$0xE400] =	vst v63  }
0x92: {  	_ =	swait.ge @!p1 [sflag:s10], $0x3200  }
0x93: {  	[sflag:s10] =	ssyncset.done @!p1 $0x0  }
0x94: {  	s12 =	sadd.s32 $0x1C0, s0;
	[sflag:s10] =	ssyncadd.s32 @!p1 $0xFFFFCE00  }
0x95: {  	[tilespmem:s18], [sflag:$0x1] =	stream.indirect.gather [hbm4b:s3+s8], $0x40, s12, s8, $0xb8;
	[tilespmem:$0xE400] =	vst v63  }
0x96: {  	s14 =	sadd.s32 $0x1F8, s0;
	s13 =	rddreg [dreg:$0x6]  }
0x97: {  	[tilespmem:s13], [sflag:$0x1] =	stream.indirect.gather [hbm4b:s3+s8], $0x40, s14, s8, $0xb8;
	[tilespmem:$0xE400] =	vst v63  }
0x98: {  	s11 =	rddreg [dreg:$0x7];
	s13 =	sadd.s32 $0x230, s0  }
0x99: {  	[tilespmem:s11], [sflag:$0x1] =	stream.indirect.gather [hbm4b:s3+s8], $0x40, s13, s8, $0xb8;
	[tilespmem:$0xE400] =	vst v63  }
0x9a: {  	s14 =	rddreg [dreg:$0x8];
	s11 =	sadd.s32 $0x268, s0  }
0x9b: {  	[tilespmem:s14], [sflag:$0x1] =	stream.indirect.gather [hbm4b:s3+s8], $0x40, s11, s8, $0xb8;
	[tilespmem:$0xE400] =	vst v63  }
0x9c: {  	_ =	swait.ge [sflag:s17], $0xC80  }
0x9d: {  	[sflag:s17] =	ssyncset.done $0x0  }
0x9e: {  	[sflag:s17] =	ssyncadd.s32 $0xFFFFF380  }
0x9f: {  	_ =	swait.ge [sflag:s17], $0xC80  }
0xa0: {  	[sflag:s17] =	ssyncset.done $0x0  }
0xa1: {  	[sflag:s17] =	ssyncadd.s32 $0xFFFFF380  }
0xa2: {  	_ =	swait.ge [sflag:s17], $0xC80  }
0xa3: {  	[sflag:s17] =	ssyncset.done $0x0  }
0xa4: {  	[sflag:s17] =	ssyncadd.s32 $0xFFFFF380  }
0xa5: {  	_ =	swait.ge [sflag:s17], $0xC80  }
0xa6: {  	[sflag:s17] =	ssyncset.done $0x0  }
0xa7: {  	s13 =	sadd.s32 $0x640, s28;
	s11 =	simm.s32 @!p1 $0x5;
	[sflag:s17] =	ssyncadd.s32 $0xFFFFF380  }
0xa8: {  	[hbm4b:s13+s2] =	stream.linear.scatter [tilespmem:s16], [sflag:$0x3], $0x3200, $0x38;
	[tilespmem:$0xE400] =	vst v63  }
0xa9: {  	_ =	swait.ge @!p1 [sflag:s11], $0x3200  }
0xaa: {  	[sflag:s11] =	ssyncset.done @!p1 $0x0  }
0xab: {  	s14 =	sadd.s32 $0x2A0, s0;
	[sflag:s11] =	ssyncadd.s32 @!p1 $0xFFFFCE00  }
0xac: {  	[tilespmem:s19], [sflag:$0x1] =	stream.indirect.gather [hbm4b:s3+s8], $0x40, s14, s8, $0xb8;
	[tilespmem:$0xE400] =	vst v63  }
0xad: {  	s13 =	sadd.s32 $0x2D8, s0;
	s12 =	rddreg [dreg:$0x9]  }
0xae: {  	[tilespmem:s12], [sflag:$0x1] =	stream.indirect.gather [hbm4b:s3+s8], $0x40, s13, s8, $0xb8;
	[tilespmem:$0xE400] =	vst v63  }
0xaf: {  	s14 =	rddreg [dreg:$0xa];
	s12 =	sadd.s32 $0x310, s0  }
0xb0: {  	[tilespmem:s14], [sflag:$0x1] =	stream.indirect.gather [hbm4b:s3+s8], $0x40, s12, s8, $0xb8;
	[tilespmem:$0xE400] =	vst v63  }
0xb1: {  	s13 =	rddreg [dreg:$0xb];
	s0 =	sadd.s32 $0x348, s0  }
0xb2: {  	[tilespmem:s13], [sflag:$0x1] =	stream.indirect.gather [hbm4b:s3+s8], $0x40, s0, s8, $0xb8;
	[tilespmem:$0xE400] =	vst v63  }
0xb3: {  	_ =	swait.ge [sflag:s17], $0xC80  }
0xb4: {  	[sflag:s17] =	ssyncset.done $0x0  }
0xb5: {  	[sflag:s17] =	ssyncadd.s32 $0xFFFFF380  }
0xb6: {  	_ =	swait.ge [sflag:s17], $0xC80  }
0xb7: {  	[sflag:s17] =	ssyncset.done $0x0  }
0xb8: {  	[sflag:s17] =	ssyncadd.s32 $0xFFFFF380  }
0xb9: {  	_ =	swait.ge [sflag:s17], $0xC80  }
0xba: {  	[sflag:s17] =	ssyncset.done $0x0  }
0xbb: {  	[sflag:s17] =	ssyncadd.s32 $0xFFFFF380  }
0xbc: {  	_ =	swait.ge [sflag:s17], $0xC80  }
0xbd: {  	p1 =	seq.s32 s26, $0x6200;
	[sflag:s17] =	ssyncset.done $0x0  }
0xbe: {  	s10 =	simm.s32 @!p1 $0x2;
	s14 =	sadd.s32 $0xC80, s28;
	[sflag:s17] =	ssyncadd.s32 $0xFFFFF380  }
0xbf: {  	[hbm4b:s14+s2] =	stream.linear.scatter [tilespmem:s18], [sflag:$0x4], $0x3200, $0x38;
	[tilespmem:$0xE400] =	vst v63  }
0xc0: {  	_ =	swait.ge @!p1 [sflag:s10], $0x3200  }
0xc1: {  	s11 =	sshra.s32 @!p1 s26, $0x2;
	s26 =	simm.s32 @!p1 $0x1C00;
	[sflag:s10] =	ssyncset.done @!p1 $0x0  }
0xc2: {  	s0 =	sadd.s32 @!p1 $0x380, s11;
	s13 =	simm.s32 @!p1 $0x32;
	[sflag:s10] =	ssyncadd.s32 @!p1 $0xFFFFCE00  }
0xc3: {  	[tilespmem:s26], [sflag:$0x1] =	stream.indirect.gather @!p1 [hbm4b:s3+s13], $0x40, s0, s13, $0xb8;
	[tilespmem:$0xE400] =	vst v63  }
0xc4: {  	s12 =	sadd.s32 @!p1 $0x3B8, s11;
	s10 =	simm.s32 @!p1 $0x2880  }
0xc5: {  	[tilespmem:s10], [sflag:$0x1] =	stream.indirect.gather @!p1 [hbm4b:s3+s13], $0x40, s12, s13, $0xb8;
	[tilespmem:$0xE400] =	vst v63  }
0xc6: {  	s1 =	smov.u32 s30;
	s14 =	sadd.s32 @!p1 $0x3F0, s11;
	s0 =	simm.s32 @!p1 $0x3500  }
0xc7: {  	[tilespmem:s0], [sflag:$0x1] =	stream.indirect.gather @!p1 [hbm4b:s3+s13], $0x40, s14, s13, $0xb8;
	[tilespmem:$0xE400] =	vst v63  }
0xc8: {  	s11 =	sadd.s32 @!p1 $0x428, s11;
	s26 =	smov.u32 s1;
	s1 =	simm.s32 @!p1 $0x4180  }
0xc9: {  	[tilespmem:s1], [sflag:$0x1] =	stream.indirect.gather @!p1 [hbm4b:s3+s13], $0x40, s11, s13, $0xb8;
	[tilespmem:$0xE400] =	vst v63  }
0xca: {  	_ =	swait.ge [sflag:s17], $0xC80  }
0xcb: {  	[sflag:s17] =	ssyncset.done $0x0  }
0xcc: {  	[sflag:s17] =	ssyncadd.s32 $0xFFFFF380  }
0xcd: {  	s30 =	sadd.s32 $0xE00, s30;
	_ =	swait.ge [sflag:s17], $0xC80  }
0xce: {  	p0 =	sne.s32 s30, $0x7000;
	[sflag:s17] =	ssyncset.done $0x0  }
.Ltmp0:
0xcf: {  	[sflag:s17] =	ssyncadd.s32 $0xFFFFF380;
	(pc) =	sbr.rel @p0 .LBB2_2-.Ltmp0, $4  }
0xd0: {  	_ =	swait.ge [sflag:s17], $0xC80  }
0xd1: {  	[sflag:s17] =	ssyncset.done $0x0  }
0xd2: {  	s28 =	smov.u32 s31;
	[sflag:s17] =	ssyncadd.s32 $0xFFFFF380  }
0xd3: {  	s31 =	sadd.s32 $0x1900, s31;
	p1 =	seq.s32 s26, $0x0;
	_ =	swait.ge [sflag:s17], $0xC80  }
0xd4: {  	[sflag:s17] =	ssyncset.done $0x0  }
0xd5: {  	s1 =	simm.s32 @!p1 $0x3;
	[sflag:s17] =	ssyncadd.s32 $0xFFFFF380  }
0xd6: {  	[hbm4b:s29+s2] =	stream.linear.scatter [tilespmem:s19], [sflag:$0x5], $0x3200, $0x38;
	[tilespmem:$0xE400] =	vst v63  }
0xd7: {  	_ =	swait.ge @!p1 [sflag:s1], $0x3200  }
0xd8: {  	s0 =	sshra.s32 s26, $0x2;
	[sflag:s1] =	ssyncset.done @!p1 $0x0  }
0xd9: {  	s10 =	sadd.s32 $0xE0, s0;
	[sflag:s1] =	ssyncadd.s32 @!p1 $0xFFFFCE00  }
0xda: {  	[tilespmem:s16], [sflag:$0x1] =	stream.indirect.gather [hbm4b:s3+s8], $0x40, s10, s8, $0xb8;
	[tilespmem:$0xE400] =	vst v63  }
0xdb: {  	s11 =	rddreg [dreg:$0x3];
	s10 =	sadd.s32 $0x118, s0  }
0xdc: {  	[tilespmem:s11], [sflag:$0x1] =	stream.indirect.gather [hbm4b:s3+s8], $0x40, s10, s8, $0xb8;
	[tilespmem:$0xE400] =	vst v63  }
0xdd: {  	s13 =	sadd.s32 $0x150, s0;
	s12 =	rddreg [dreg:$0x4]  }
0xde: {  	[tilespmem:s12], [sflag:$0x1] =	stream.indirect.gather [hbm4b:s3+s8], $0x40, s13, s8, $0xb8;
	[tilespmem:$0xE400] =	vst v63  }
0xdf: {  	s29 =	sadd.s32 $0x188, s0;
	s14 =	rddreg [dreg:$0x5]  }
0xe0: {  	[tilespmem:s14], [sflag:$0x1] =	stream.indirect.gather [hbm4b:s3+s8], $0x40, s29, s8, $0xb8;
	[tilespmem:$0xE400] =	vst v63  }
0xe1: {  	_ =	swait.ge [sflag:s17], $0xC80  }
0xe2: {  	[sflag:s17] =	ssyncset.done $0x0  }
0xe3: {  	[sflag:s17] =	ssyncadd.s32 $0xFFFFF380  }
0xe4: {  	_ =	swait.ge [sflag:s17], $0xC80  }
0xe5: {  	[sflag:s17] =	ssyncset.done $0x0  }
0xe6: {  	[sflag:s17] =	ssyncadd.s32 $0xFFFFF380  }
0xe7: {  	_ =	swait.ge [sflag:s17], $0xC80  }
0xe8: {  	[sflag:s17] =	ssyncset.done $0x0  }
0xe9: {  	[sflag:s17] =	ssyncadd.s32 $0xFFFFF380  }
0xea: {  	_ =	swait.ge [sflag:s17], $0xC80  }
0xeb: {  	[sflag:s17] =	ssyncset.done $0x0  }
0xec: {  	s1 =	simm.s32 @!p1 $0x4;
	[sflag:s17] =	ssyncadd.s32 $0xFFFFF380  }
0xed: {  	[hbm4b:s28+s2] =	stream.linear.scatter [tilespmem:s9], [sflag:$0x2], $0x3200, $0x38;
	[tilespmem:$0xE400] =	vst v63  }
0xee: {  	_ =	swait.ge @!p1 [sflag:s1], $0x3200  }
0xef: {  	[sflag:s1] =	ssyncset.done @!p1 $0x0  }
0xf0: {  	s30 =	sadd.s32 $0x1C0, s0;
	[sflag:s1] =	ssyncadd.s32 @!p1 $0xFFFFCE00  }
0xf1: {  	[tilespmem:s18], [sflag:$0x1] =	stream.indirect.gather [hbm4b:s3+s8], $0x40, s30, s8, $0xb8;
	[tilespmem:$0xE400] =	vst v63  }
0xf2: {  	s12 =	sadd.s32 $0x1F8, s0;
	s31 =	rddreg [dreg:$0x6]  }
0xf3: {  	[tilespmem:s31], [sflag:$0x1] =	stream.indirect.gather [hbm4b:s3+s8], $0x40, s12, s8, $0xb8;
	[tilespmem:$0xE400] =	vst v63  }
0xf4: {  	s14 =	sadd.s32 $0x230, s0;
	s13 =	rddreg [dreg:$0x7]  }
0xf5: {  	[tilespmem:s13], [sflag:$0x1] =	stream.indirect.gather [hbm4b:s3+s8], $0x40, s14, s8, $0xb8;
	[tilespmem:$0xE400] =	vst v63  }
0xf6: {  	s29 =	rddreg [dreg:$0x8];
	s30 =	sadd.s32 $0x268, s0  }
0xf7: {  	[tilespmem:s29], [sflag:$0x1] =	stream.indirect.gather [hbm4b:s3+s8], $0x40, s30, s8, $0xb8;
	[tilespmem:$0xE400] =	vst v63  }
0xf8: {  	_ =	swait.ge [sflag:s17], $0xC80  }
0xf9: {  	[sflag:s17] =	ssyncset.done $0x0  }
0xfa: {  	[sflag:s17] =	ssyncadd.s32 $0xFFFFF380  }
0xfb: {  	_ =	swait.ge [sflag:s17], $0xC80  }
0xfc: {  	[sflag:s17] =	ssyncset.done $0x0  }
0xfd: {  	[sflag:s17] =	ssyncadd.s32 $0xFFFFF380  }
0xfe: {  	_ =	swait.ge [sflag:s17], $0xC80  }
0xff: {  	[sflag:s17] =	ssyncset.done $0x0  }
0x100: {  	[sflag:s17] =	ssyncadd.s32 $0xFFFFF380  }
0x101: {  	_ =	swait.ge [sflag:s17], $0xC80  }
0x102: {  	[sflag:s17] =	ssyncset.done $0x0  }
0x103: {  	s10 =	simm.s32 @!p1 $0x5;
	s31 =	sadd.s32 $0x640, s28;
	[sflag:s17] =	ssyncadd.s32 $0xFFFFF380  }
0x104: {  	[hbm4b:s31+s2] =	stream.linear.scatter [tilespmem:s16], [sflag:$0x3], $0x3200, $0x38;
	[tilespmem:$0xE400] =	vst v63  }
0x105: {  	_ =	swait.ge @!p1 [sflag:s10], $0x3200  }
0x106: {  	[sflag:s10] =	ssyncset.done @!p1 $0x0  }
0x107: {  	s11 =	sadd.s32 $0x2A0, s0;
	[sflag:s10] =	ssyncadd.s32 @!p1 $0xFFFFCE00  }
0x108: {  	[tilespmem:s19], [sflag:$0x1] =	stream.indirect.gather [hbm4b:s3+s8], $0x40, s11, s8, $0xb8;
	[tilespmem:$0xE400] =	vst v63  }
0x109: {  	s13 =	sadd.s32 $0x2D8, s0;
	s12 =	rddreg [dreg:$0x9]  }
0x10a: {  	[tilespmem:s12], [sflag:$0x1] =	stream.indirect.gather [hbm4b:s3+s8], $0x40, s13, s8, $0xb8;
	[tilespmem:$0xE400] =	vst v63  }
0x10b: {  	s29 =	sadd.s32 $0x310, s0;
	s14 =	rddreg [dreg:$0xa]  }
0x10c: {  	[tilespmem:s14], [sflag:$0x1] =	stream.indirect.gather [hbm4b:s3+s8], $0x40, s29, s8, $0xb8;
	[tilespmem:$0xE400] =	vst v63  }
0x10d: {  	s0 =	sadd.s32 $0x348, s0;
	s30 =	rddreg [dreg:$0xb]  }
0x10e: {  	[tilespmem:s30], [sflag:$0x1] =	stream.indirect.gather [hbm4b:s3+s8], $0x40, s0, s8, $0xb8;
	[tilespmem:$0xE400] =	vst v63  }
0x10f: {  	_ =	swait.ge [sflag:s17], $0xC80  }
0x110: {  	[sflag:s17] =	ssyncset.done $0x0  }
0x111: {  	[sflag:s17] =	ssyncadd.s32 $0xFFFFF380  }
0x112: {  	_ =	swait.ge [sflag:s17], $0xC80  }
0x113: {  	[sflag:s17] =	ssyncset.done $0x0  }
0x114: {  	[sflag:s17] =	ssyncadd.s32 $0xFFFFF380  }
0x115: {  	_ =	swait.ge [sflag:s17], $0xC80  }
0x116: {  	[sflag:s17] =	ssyncset.done $0x0  }
0x117: {  	[sflag:s17] =	ssyncadd.s32 $0xFFFFF380  }
0x118: {  	_ =	swait.ge [sflag:s17], $0xC80  }
0x119: {  	p0 =	seq.s32 s26, $0x6200;
	[sflag:s17] =	ssyncset.done $0x0  }
0x11a: {  	s1 =	simm.s32 @!p0 $0x2;
	s31 =	sadd.s32 $0xC80, s28;
	[sflag:s17] =	ssyncadd.s32 $0xFFFFF380  }
0x11b: {  	[hbm4b:s31+s2] =	stream.linear.scatter [tilespmem:s18], [sflag:$0x4], $0x3200, $0x38;
	[tilespmem:$0xE400] =	vst v63  }
0x11c: {  	_ =	swait.ge @!p0 [sflag:s1], $0x3200  }
0x11d: {  	s11 =	simm.s32 @!p0 $0x32;
	s0 =	sshra.s32 @!p0 s26, $0x2;
	[sflag:s1] =	ssyncset.done @!p0 $0x0  }
0x11e: {  	s12 =	simm.s32 @!p0 $0x1C00;
	s10 =	sadd.s32 @!p0 $0x380, s0;
	[sflag:s1] =	ssyncadd.s32 @!p0 $0xFFFFCE00  }
0x11f: {  	[tilespmem:s12], [sflag:$0x1] =	stream.indirect.gather @!p0 [hbm4b:s3+s11], $0x40, s10, s11, $0xb8;
	[tilespmem:$0xE400] =	vst v63  }
0x120: {  	s1 =	sadd.s32 @!p0 $0x3B8, s0;
	s10 =	simm.s32 @!p0 $0x2880  }
0x121: {  	[tilespmem:s10], [sflag:$0x1] =	stream.indirect.gather @!p0 [hbm4b:s3+s11], $0x40, s1, s11, $0xb8;
	[tilespmem:$0xE400] =	vst v63  }
0x122: {  	s1 =	sadd.s32 @!p0 $0x3F0, s0;
	s10 =	simm.s32 @!p0 $0x3500  }
0x123: {  	[tilespmem:s10], [sflag:$0x1] =	stream.indirect.gather @!p0 [hbm4b:s3+s11], $0x40, s1, s11, $0xb8;
	[tilespmem:$0xE400] =	vst v63  }
0x124: {  	s0 =	sadd.s32 @!p0 $0x428, s0;
	s1 =	simm.s32 @!p0 $0x4180  }
0x125: {  	[tilespmem:s1], [sflag:$0x1] =	stream.indirect.gather @!p0 [hbm4b:s3+s11], $0x40, s0, s11, $0xb8;
	[tilespmem:$0xE400] =	vst v63  }
0x126: {  	_ =	swait.ge [sflag:s17], $0xC80  }
0x127: {  	[sflag:s17] =	ssyncset.done $0x0  }
0x128: {  	[sflag:s17] =	ssyncadd.s32 $0xFFFFF380  }
0x129: {  	_ =	swait.ge [sflag:s17], $0xC80  }
0x12a: {  	[sflag:s17] =	ssyncset.done $0x0  }
0x12b: {  	[sflag:s17] =	ssyncadd.s32 $0xFFFFF380  }
0x12c: {  	_ =	swait.ge [sflag:s17], $0xC80  }
0x12d: {  	[sflag:s17] =	ssyncset.done $0x0  }
0x12e: {  	[sflag:s17] =	ssyncadd.s32 $0xFFFFF380  }
0x12f: {  	_ =	swait.ge [sflag:s17], $0xC80  }
0x130: {  	[sflag:s17] =	ssyncset.done $0x0  }
0x131: {  	[sflag:s17] =	ssyncadd.s32 $0xFFFFF380  }
0x132: {  	[hbm4b:s25+s2] =	stream.linear.scatter [tilespmem:s19], [sflag:$0x5], $0x3200, $0x38;
	[tilespmem:$0xE400] =	vst v63  }
0x133: {  	_ =	swait.ge [sflag:s20], $0x3200  }
0x134: {  	[sflag:s20] =	ssyncset.done $0x0  }
0x135: {  	[sflag:s20] =	ssyncadd.s32 $0xFFFFCE00  }
0x136: {  	_ =	swait.ge [sflag:s21], $0x3200  }
0x137: {  	[sflag:s21] =	ssyncset.done $0x0  }
0x138: {  	s24 =	sadd.s32 $0x1, s24;
	[sflag:s21] =	ssyncadd.s32 $0xFFFFCE00  }
0x139: {  	p0 =	sne.s32 s24, s5;
	_ =	swait.ge [sflag:s22], $0x3200  }
.Ltmp1:
0x13a: {  	[sflag:s22] =	ssyncset.done $0x0;
	(pc) =	sbr.rel @p0 .LBB2_1-.Ltmp1, $4  }
0x13b: {  	[sflag:s22] =	ssyncadd.s32 $0xFFFFCE00  }
0x13c: {  	_ =	swait.ge [sflag:s23], $0x3200  }
0x13d: {  	[sflag:s23] =	ssyncset.done $0x0  }
0x13e: {  	[sflag:s23] =	ssyncadd.s32 $0xFFFFCE00  }
0x13f: {  	_ =	sfence.sel $0x180000  }
0x140: {  	[bflag:$0x0] =	sbarrier.arrive $0xFFFF  }
0x141: {  	_ =	strace $0x90000047  }
0x142: {  	s0 =	stileid.u32;
	[bflag:$0x2] =	sbarrier.arrive $0xFFFF  }
0x143: {  	p0 =	sne.s32 s0, $0x0;
	s0 =	rddreg [dreg:$0x2]  }
0x144: {  	s0 =	sadd.s32 @!p0 $0x100000, s0  }
0x145: {  	[sflag:s0] =	ssyncadd.tile.s32 @!p0 $0x1;
	_ =	shalt  }
.Lfunc_end2:
_tile_overlayer_lowered:
.L_overlay_start_2:
0x146: {  	(tag) =	ssettag $0x2  }
0x147: {  	s0 =	rddreg [dreg:$0x0];
	s2 =	stileid.u32  }
0x148: {  	s1 =	rddreg [dreg:$0x1];
	p0 =	sne.s32 s2, $0x0  }
0x149: {  	s3 =	rddreg [dreg:$0x2];
	[bflag:$0x3] =	sbarrier.arrive $0xFFFF;
	s2 =	simm.s32 @!p0 $0x1C06  }
0x14a: {  	[timem:s3], [sflag:s2] =	dma.local @!p0 [hbm:s0], s1  }
0x14b: {  	s0 =	simm.s32 @!p0 $0x6  }
0x14c: {  	_ =	swait.ge @!p0 [sflag:s0], s1  }
0x14d: {  	s1 =	ssub.s32 @!p0 $0x0, s1;
	[sflag:s0] =	ssyncset.done @!p0 $0x0  }
0x14e: {  	[sflag:s0] =	ssyncadd.s32 @!p0 s1  }
0x14f: {  	[bflag:$0x3] =	sbarrier.arrive $0xFFFF  }
0x150: {  	_ =	shalt  }

// kernel: sparse-core-data-format-call.cloned.1.call-start
scs
called_computation_lowered:
.L_overlay_start_0:
0x0: {  	s2 =	sld [smem:$0x3FD9]  }
0x1: {  	s3 =	sld [smem:$0x3FFE];
	_ =	sdelay $0x1  }
0x2: {  	s1 =	srdreg.scid  }
0x3: {  	s0 =	sand.u32 $0x1, s1  }
0x4: {  	s18 =	sshll.u32 s0, $0xA;
	s2 =	sadd.s32 s3, s2  }
0x5: {  	s2 =	sadd.s32 s2, s18  }
0x6: {  	[smem:$0x3FC6] =	sst s2  }
0x7: {  	_ = 	snop  }
0x8: {  	s2 =	sld [smem:$0x3FD0];
	(tm) =	ssettm $0x1  }
0x9: {  	s19 =	sld [smem:$0x3FFB];
	_ =	sdelay $0x3  }
0xa: {  	_ =	strace s19  }
0xb: {  	s3 =	sld [smem:$0x3FFC];
	_ =	sdelay $0x3  }
0xc: {  	_ =	strace s3  }
0xd: {  	s3 =	sld [smem:$0x3FFD];
	_ =	sdelay $0x3  }
0xe: {  	_ =	strace s3  }
0xf: {  	_ =	strace $0x8FFFFFFF  }
0x10: {  	s20 =	sld [smem:$0x3FDB];
	_ =	sdelay $0x1  }
0x11: {  	s4 =	simm.s32 $_scs_section_size  }
0x12: {  	s5 =	simm.s32 $_size__tile_overlayer_lowered;
	s6 =	simm.s32 $_tile_overlayer_lowered  }
0x13: {  	s23 =	simm.s32 $0x1BFF;
	s22 =	sshll.u32 s6, $0x1;
	s3 =	sadd.s32 s4, s20  }
0x14: {  	s7 =	simm.s32 $0x0;
	s21 =	sshll.u32 s5, $0x1;
	s5 =	sadd.s32 s22, s3  }
0x15: {  	[timem:s7], [sflag:s23] =	dma.local [hbm:s5], s21  }
0x16: {  	_ =	swait.ge [sflag:s23], s21  }
0x17: {  	s4 =	ssub.s32 $0x0, s21;
	[sflag:s23] =	ssyncset.done $0x0  }
0x18: {  	[sflag:s23] =	ssyncadd.s32 s4;
	_ =	sdelay $0x1  }
0x19: {  	s24 =	simm.s32 $0x1B8B  }
0x1a: {  	_ =	swait.ge [sflag:s24], $0x1  }
0x1b: {  	[sflag:s24] =	ssyncset.done $0x0  }
0x1c: {  	s26 =	simm.s32 $0x1B8E;
	s25 =	sld [smem:$0x3FFE];
	[sflag:s24] =	ssyncadd.s32 $0xFFFFFFFF  }
0x1d: {  	s27 =	simm.s32 $execute0_lowered;
	[smem:$0x3FD2] =	sst s26  }
0x1e: {  	s5 =	sshll.u32 s27, $0x1;
	_ =	strace $0x80000049;
	[dreg:$0x1] =	wrdreg $0xFFFFFFFF  }
0x1f: {  	s28 =	simm.s32 $_size_execute0_lowered;
	s3 =	sadd.s32 s3, s5;
	[dreg:$0x0] =	wrdreg $0x0  }
0x20: {  	s5 =	sshll.u32 s28, $0x1;
	[dreg:$0x2] =	wrdreg s3  }
0x21: {  	[dreg:$0x3] =	wrdreg s5  }
0x22: {  	[dreg:$0x4] =	wrdreg $0xC0  }
0x23: {  	_ =	task [dreg:s7], $0x5FFFF  }
0x24: {  	[dreg:$0x1] =	wrdreg $0xFFFFFFFF  }
0x25: {  	[dreg:$0x0] =	wrdreg $0x60  }
0x26: {  	[dreg:$0x2] =	wrdreg s25  }
0x27: {  	[dreg:$0x3] =	wrdreg s2  }
0x28: {  	[dreg:$0x4] =	wrdreg $0x9  }
0x29: {  	_ =	task.clear_ibuf [dreg:s7], $0x5FFFF;
	_ =	strace $0x90000049  }
0x2a: {  	s29 =	simm.s32 $0x9;
	_ =	strace $0x8000004B  }
0x2b: {  	_ =	swait.ge [sflag:s29], $0x1  }
0x2c: {  	[sflag:s29] =	ssyncadd.s32 $0xFFFFFFFF  }
0x2d: {  	_ =	strace $0x9000004B  }
0x2e: {  	_ =	sfence  }
0x2f: {  	s30 =	sld [smem:$0x0];
	_ =	sdelay $0x2  }
0x30: {  	s31 =	sshll.u32 s1, $0xD;
	s1 =	sshrl.u32 s1, $0x2  }
0x31: {  	s3 =	sand.u32 $0x4000, s31;
	s1 =	sadd.s32 s1, s30  }
0x32: {  	s0 =	sor.u32 s3, s0;
	s1 =	sshll.u32 s1, $0x11  }
0x33: {  	s0 =	sor.u32 s1, s0  }
0x34: {  	s0 =	sadd.s32 $0x8F2B, s0  }
0x35: {  	[sflag:s0] =	ssyncadd.remote.s32 $0x1  }
0x36: {  	_ =	sfence.sel $0xFFFF  }
0x37: {  	[dreg:$0x0] =	wrdreg $0xFFFFFFFF;
	(pc) =	sbr.abs _section_cstart, $3  }
0x38: {  	[dreg:$0x1] =	wrdreg $0xFFFFFFFF  }
0x39: {  	_ =	task.clear_ibuf [dreg:s7], $0x2FFFF;
	_ =	strace $0x9FFFFFFF  }
0x3a: {  	(tm) =	ssettm $0x7FFFFFFF  }
0x3b: {  	_ =	shalt  }
tec
execute0_lowered:
.L_overlay_start_1:
0x0: {  	(tag) =	ssettag $0x1  }
0x1: {  	s0 =	srdreg.scid  }
0x2: {  	s1 =	sshll.u32 s0, $0x4  }
0x3: {  	s0 =	stileid.u32;
	s1 =	sand.u32 $0x10, s1  }
0x4: {  	s1 =	sor.u32 s0, s1  }
0x5: {  	s6 =	rddreg [dreg:$0x0];
	s4 =	simm.s32 $0x1;
	s2 =	sshll.u32 s1, $0x7  }
0x6: {  	s7 =	simm.s32 $0x2;
	s12 =	simm.s32 $0x0;
	s1 =	ssub.s32 $0x1000, s2  }
0x7: {  	s8 =	simm.s32 $0x8000;
	s13 =	simm.s32 $0x0;
	s3 =	sand.u32 $0xF80, s1  }
0x8: {  	s9 =	simm.s32 $0x0;
	s5 =	sshrl.u32 s1, $0xC;
	p0 =	sne.s32 s3, $0x0  }
.Ltmp0:
0x9: {  	s1 =	rddreg [dreg:$0x2];
	s4 =	simm.s32 @!p0 $0x0;
	(pc) =	sbr.rel .LBB1_1-.Ltmp0, $4  }
0xa: {  	s11 =	simm.s32 $0x0;
	s3 =	rddreg [dreg:$0x1];
	s5 =	sadd.s32 s4, s5  }
0xb: {  	_ =	strace $0x8000004A;
	s4 =	simm.s32 $0x1;
	s5 =	smul.u32 $0x32, s5  }
0xc: {  	s6 =	sadd.s32 $0xA00, s6;
	s10 =	smov.u32 s2;
	[sflag:s4] =	ssyncpa.u1 $0x0  }
0xd: {  	p0 =	por $0x0, $0x0;
	[sflag:s7] =	ssyncpa.u1 $0x0;
	s7 =	sor.u32 $0x1, s5  }
.LBB1_4:
0xe: {  	s16 =	sshll.u32 s13, $0x3;
	s17 =	sand.u32 $0x78, s13  }
0xf: {  	s30 =	sand.u32 $0x7E00, s13;
	s12 =	sshll.u32 s12, $0xF;
	s16 =	sand.u32 $0xC00, s16  }
0x10: {  	[tilespmem:s15+$0x810 ss:$0x81] =	vst.msk $0xffff, v2;
	s31 =	sand.u32 $0x7, s13;
	s16 =	sor.u32 s17, s16;
	s17 =	sadd.s32 s3, s30  }
0x11: {  	[tilespmem:s15+$0x1020 ss:$0x81] =	vst.msk $0xffff, v0;
	s13 =	sshll.u32 s31, $0x12;
	s12 =	sadd.s32 s12, s17;
	s16 =	sshrl.u32 s16, $0x3  }
0x12: {  	[tilespmem:s15+$0x0 ss:$0x81] =	vst.msk $0xffff, v1;
	s13 =	sor.u32 $0x400, s13;
	s12 =	sadd.s32 s16, s12  }
0x13: {  	[hbm4b:s12+s13] =	stream.strided.scatter [tilespmem:s14], [sflag:$0x2], $0x2000, s8, s13, $0x20;
	[tilespmem:$0x8080] =	vst v63  }
.LBB1_5:
0x14: {  	s14 =	sadd.s32 $0x1, s9  }
0x15: {  	s12 =	sadd.s32 $0x1000, s10;
	s16 =	smov.u32 s10;
	p2 =	sgt.s32 s14, $0x31  }
0x16: {  	s16 =	smov.u32 @p2 s12  }
0x17: {  	s14 =	simm.s32 @p2 $0x0;
	p2 =	sgt.s32 s16, $0xFFF  }
0x18: {  	s16 =	smov.u32 @p2 s2;
	p2 =	sne.s32 s11, s7  }
.Ltmp1:
0x19: {  	p1 =	slt.u32 s11, $0x2;
	(pc) =	sbr.rel @!p2 .LBB1_6-.Ltmp1, $4  }
0x1a: {  	s15 =	simm.s32 @!p1 $0x2  }
0x1b: {  	s13 =	smov.u32 s10;
	p0 =	por !p0, !p0;
	_ =	swait.ge @!p1 [sflag:s15], $0x2000  }
0x1c: {  	s12 =	smov.u32 s9;
	[sflag:s15] =	ssyncset.done @!p1 $0x0;
	s9 =	smov.u32 s14  }
0x1d: {  	s11 =	sadd.s32 $0x1, s11;
	[sflag:s15] =	ssyncadd.s32 @!p1 $0xFFFFE000;
	s10 =	smov.u32 s16  }
.LBB1_1:
0x1e: {  	p1 =	sge.u32 s11, s5  }
0x1f: {  	s14 =	sand.u32 @!p1 $0x1FFFFFF, s9  }
0x20: {  	s15 =	smulhi.u32 @!p1 $0x4924925, s14;
	_ =	sdelay $0x1  }
0x21: {  	s15 =	smul.u32 @!p1 $0x38, s15  }
0x22: {  	s16 =	sxor.u32 @!p1 $0xFFFFFFFF, s11;
	s17 =	smul.u32 @!p1 $0x380, s10  }
0x23: {  	s31 =	sadd.s32 $0xFFFFFFFF, s11;
	s16 =	sshll.u32 @!p1 s16, $0xD;
	s14 =	ssub.s32 @!p1 s14, s15  }
0x24: {  	s15 =	sand.u32 @!p1 $0x2000, s16;
	s16 =	sadd.s32 @!p1 s6, s17;
	s14 =	sshll.u32 @!p1 s14, $0x4  }
0x25: {  	s17 =	simm.s32 @!p1 $0x1C00;
	s14 =	sadd.s32 @!p1 s14, s16;
	s16 =	simm.s32 @!p1 $0x40  }
0x26: {  	[tilespmem:s15], [sflag:$0x1] =	stream.strided.gather @!p1 [hbm4b:s14+s16], $0x2000, s17, s16, $0x38;
	[tilespmem:$0x8080] =	vst v63  }
0x27: {  	p1 =	sge.u32 s31, s5  }
.Ltmp2:
0x28: {  	_ = 	snop;
	(pc) =	sbr.rel @p1 .LBB1_5-.Ltmp2, $1  }
0x29: {  	_ =	sdelay $0x3  }
0x2a: {  	s14 =	simm.s32 $0x1  }
0x2b: {  	_ =	swait.ge [sflag:s4], $0x2000;
	s14 =	simm.s32 @!p0 $0x0  }
0x2c: {  	[sflag:s4] =	ssyncset.done $0x0;
	s15 =	sshll.u32 s14, $0xD  }
0x2d: {  	[sflag:s4] =	ssyncadd.s32 $0xFFFFE000;
	s18 =	sor.u32 $0x20, s15  }
0x2e: {  	s14 =	smul.u32 $0x8100, s14;
	v3 =	vld [tilespmem:s18+$0x10]  }
0x2f: {  	s30 =	sand.u32 $0x1, s11;
	v2 =	vld [tilespmem:s18+$0xFFFFFFF0]  }
0x30: {  	s15 =	smul.u32 $0x8100, s30;
	s14 =	sshrl.u32 s14, $0x2;
	v0 =	vld [tilespmem:s18+$0x0]  }
0x31: {  	v1 =	vld [tilespmem:s18+$0xFFFFFFE0];
	s16 =	sor.u32 $0x4000, s14  }
0x32: {  	s31 =	sshrl.u32 s15, $0x2;
	s15 =	sadd.s32 $0x0, s16  }
0x33: {  	s17 =	simm.s32 $0x4;
	s18 =	sadd.s32 $0x40, s18;
	s14 =	sor.u32 $0x4000, s31;
	[tilespmem:s15+$0x1830 ss:$0x81] =	vst.msk $0xffff, v3  }
.LBB1_3:
0x34: {  	v3 =	vld [tilespmem:s18+$0x10];
	p1 =	sne.s32 s17, $0x1FC;
	[tilespmem:s15+$0x810 ss:$0x81] =	vst.msk $0xffff, v2;
	s19 =	smov.u32 s17;
	s17 =	sadd.s32 $0x4, s17  }
.Ltmp3:
0x35: {  	v2 =	vld [tilespmem:s18+$0xFFFFFFF0];
	[tilespmem:s15+$0x1020 ss:$0x81] =	vst.msk $0xffff, v0;
	(pc) =	sbr.rel @p1 .LBB1_3-.Ltmp3, $4  }
0x36: {  	v0 =	vld [tilespmem:s18+$0x0];
	[tilespmem:s15+$0x0 ss:$0x81] =	vst.msk $0xffff, v1  }
0x37: {  	s15 =	sshra.s32 s19, $0x2;
	v1 =	vld [tilespmem:s18+$0xFFFFFFE0]  }
0x38: {  	s15 =	sadd.s32 s15, s16  }
0x39: {  	s18 =	sadd.s32 $0x40, s18;
	[tilespmem:s15+$0x1830 ss:$0x81] =	vst.msk $0xffff, v3  }
.Ltmp4:
0x3a: {  	_ = 	snop;
	(pc) =	sbr.rel .LBB1_4-.Ltmp4, $1  }
0x3b: {  	_ =	sdelay $0x3  }
.LBB1_6:
0x3c: {  	_ =	sfence.sel $0x180000  }
0x3d: {  	s2 =	simm.s32 $0x1;
	[bflag:$0x0] =	sbarrier.arrive $0xFFFF  }
0x3e: {  	s31 =	simm.s32 $0x2;
	[sflag:s2] =	ssyncpa.u1 $0x1  }
0x3f: {  	[sflag:s31] =	ssyncpa.u1 $0x1  }
0x40: {  	p0 =	sne.s32 s0, $0x0;
	_ =	strace $0x9000004A  }
0x41: {  	s0 =	sadd.s32 @!p0 $0x100000, s1;
	[bflag:$0x2] =	sbarrier.arrive $0xFFFF  }
0x42: {  	[sflag:s0] =	ssyncadd.tile.s32 @!p0 $0x1;
	_ =	shalt  }
.Lfunc_end1:
_tile_overlayer_lowered:
.L_overlay_start_2:
0x43: {  	(tag) =	ssettag $0x2  }
0x44: {  	s0 =	rddreg [dreg:$0x0];
	s2 =	stileid.u32  }
0x45: {  	s1 =	rddreg [dreg:$0x1];
	p0 =	sne.s32 s2, $0x0  }
0x46: {  	s3 =	rddreg [dreg:$0x2];
	[bflag:$0x3] =	sbarrier.arrive $0xFFFF;
	s2 =	simm.s32 @!p0 $0x1C01  }
0x47: {  	[timem:s3], [sflag:s2] =	dma.local @!p0 [hbm:s0], s1  }
0x48: {  	s0 =	simm.s32 @!p0 $0x1  }
0x49: {  	_ =	swait.ge @!p0 [sflag:s0], s1  }
0x4a: {  	s1 =	ssub.s32 @!p0 $0x0, s1;
	[sflag:s0] =	ssyncset.done @!p0 $0x0  }
0x4b: {  	[sflag:s0] =	ssyncadd.s32 @!p0 s1  }
0x4c: {  	[bflag:$0x3] =	sbarrier.arrive $0xFFFF  }
0x4d: {  	_ =	shalt  }

</sc_bundles>
